<compile_context>
chip_gen: v7x
topology: tpu7x:2x2x1
jax: 0.10.2.dev20260603
libtpu: 0.0.44.dev20260713+nightly
codegen_flags: <defaults>
</compile_context>

<pallas_src>
import functools

import jax
import jax.numpy as jnp
from jax import lax
from jax.experimental import pallas as pl
from jax.experimental.pallas import tpu as pltpu
from jax.experimental.pallas import tpu_sc as plsc

N = 10000
D = 256
E = 160000
NP = 10240
EPAD = 163840
TRASH = 10000
HALF = 128
STRIPE = NP // 16
BN = 5120
_NCHUNK = 80



def _deg_body(dst32, zeros1, deg_out, idx_v, ones_v, deg_sh):
    c = lax.axis_index("c")
    s = lax.axis_index("s")
    w = c * 16 + s
    pltpu.sync_copy(zeros1.at[pl.ds(s * STRIPE, STRIPE)],
                    deg_sh.at[pl.ds(s * STRIPE, STRIPE)])
    pltpu.sync_copy(dst32.at[w], idx_v)
    for k in range(8):
        ones_v[pl.ds(k * 16, 16)] = jnp.full((16,), 1.0, jnp.float32)
    plsc.subcore_barrier()

    def body(j, carry):
        pltpu.sync_copy(ones_v, deg_sh.at[idx_v.at[j]], add=True)
        return carry

    lax.fori_loop(0, 40, body, 0)
    plsc.subcore_barrier()
    pltpu.sync_copy(deg_sh.at[pl.ds(s * STRIPE, STRIPE)],
                    deg_out.at[c, pl.ds(s * STRIPE, STRIPE)])


def _agg_body(g_hbm, src2, dst16, zeros2, acc_out, idxs_v, idxd_v,
              rows_v, acc_sh, sem):
    c = lax.axis_index("c")
    s = lax.axis_index("s")
    pltpu.sync_copy(zeros2.at[pl.ds(s * STRIPE, STRIPE)],
                    acc_sh.at[pl.ds(s * STRIPE, STRIPE)])
    pltpu.sync_copy(src2.at[c, s], idxs_v)
    pltpu.sync_copy(dst16.at[s], idxd_v)
    plsc.subcore_barrier()

    def body(j, carry):
        pltpu.async_copy(g_hbm.at[idxs_v.at[j]], rows_v, sem).wait()
        pltpu.sync_copy(rows_v, acc_sh.at[idxd_v.at[j]], add=True)
        return carry

    lax.fori_loop(0, _NCHUNK, body, 0)
    plsc.subcore_barrier()
    pltpu.sync_copy(acc_sh.at[pl.ds(s * STRIPE, STRIPE)],
                    acc_out.at[c, pl.ds(s * STRIPE, STRIPE)])


@functools.cache
def _sc_kernels():
    mesh = plsc.VectorSubcoreMesh(core_axis_name="c", subcore_axis_name="s",
                                  num_cores=2, num_subcores=16)
    deg = pl.kernel(
        _deg_body,
        out_type=jax.ShapeDtypeStruct((2, NP), jnp.float32),
        mesh=mesh,
        scratch_types=[
            pltpu.VMEM((40, 128), jnp.int32),
            pltpu.VMEM((128,), jnp.float32),
            pltpu.VMEM_SHARED((NP,), jnp.float32),
        ],
    )
    agg = pl.kernel(
        _agg_body,
        out_type=jax.ShapeDtypeStruct((2, NP, HALF), jnp.float32),
        mesh=mesh,
        scratch_types=[
            pltpu.VMEM((_NCHUNK, 128), jnp.int32),
            pltpu.VMEM((_NCHUNK, 128), jnp.int32),
            pltpu.VMEM((128, HALF), jnp.float32),
            pltpu.VMEM_SHARED((NP, HALF), jnp.float32),
            pltpu.SemaphoreType.DMA,
        ],
    )
    return deg, agg



def _dinv(d0_ref, d1_ref):
    return lax.rsqrt(d0_ref[...] + d1_ref[...] + 1.0)


def _leaky(z):
    return jnp.where(z >= 0, z, 0.01 * z)


def _mm_body(x_ref, w_ref, d0_ref, d1_ref, g_ref):
    u = x_ref[...] * _dinv(d0_ref, d1_ref)
    h = jnp.dot(u, w_ref[...], preferred_element_type=jnp.float32)
    g_ref[0] = h[:, :HALF]
    g_ref[1] = h[:, HALF:]


def _mid_body(acc_ref, g_ref, d0_ref, d1_ref, b_ref, w_ref, out_ref):
    dinv = _dinv(d0_ref, d1_ref)
    z0 = _leaky(dinv * (acc_ref[0] + g_ref[0]) + b_ref[0:1, :HALF])
    z1 = _leaky(dinv * (acc_ref[1] + g_ref[1]) + b_ref[0:1, HALF:])
    h = (jnp.dot(dinv * z0, w_ref[:HALF, :], preferred_element_type=jnp.float32)
         + jnp.dot(dinv * z1, w_ref[HALF:, :], preferred_element_type=jnp.float32))
    out_ref[0] = h[:, :HALF]
    out_ref[1] = h[:, HALF:]


def _fin_body(acc_ref, g_ref, d0_ref, d1_ref, b_ref, out_ref):
    dinv = _dinv(d0_ref, d1_ref)
    out_ref[:, :HALF] = _leaky(dinv * (acc_ref[0] + g_ref[0]) + b_ref[0:1, :HALF])
    out_ref[:, HALF:] = _leaky(dinv * (acc_ref[1] + g_ref[1]) + b_ref[0:1, HALF:])


_GRID = (NP // BN,)
_SPEC_ROWS = pl.BlockSpec((BN, D), lambda i: (i, 0))
_SPEC_W = pl.BlockSpec((D, D), lambda i: (0, 0))
_SPEC_D = pl.BlockSpec((BN, 1), lambda i: (i, 0))
_SPEC_B = pl.BlockSpec((1, D), lambda i: (0, 0))
_SPEC_HALVES = pl.BlockSpec((2, BN, HALF), lambda i: (0, i, 0))

_mm_call = pl.pallas_call(
    _mm_body,
    grid=_GRID,
    in_specs=[_SPEC_ROWS, _SPEC_W, _SPEC_D, _SPEC_D],
    out_specs=_SPEC_HALVES,
    out_shape=jax.ShapeDtypeStruct((2, NP, HALF), jnp.float32),
)

_mid_call = pl.pallas_call(
    _mid_body,
    grid=_GRID,
    in_specs=[_SPEC_HALVES, _SPEC_HALVES, _SPEC_D, _SPEC_D, _SPEC_B,
              _SPEC_W],
    out_specs=_SPEC_HALVES,
    out_shape=jax.ShapeDtypeStruct((2, NP, HALF), jnp.float32),
)

_fin_call = pl.pallas_call(
    _fin_body,
    grid=_GRID,
    in_specs=[_SPEC_HALVES, _SPEC_HALVES, _SPEC_D, _SPEC_D, _SPEC_B],
    out_specs=_SPEC_ROWS,
    out_shape=jax.ShapeDtypeStruct((NP, D), jnp.float32),
)


def kernel(x, edge_index, W1, b1, W2, b2):
    ei = edge_index.astype(jnp.int32)
    srcp = jnp.concatenate([ei[0], jnp.zeros((EPAD - E,), jnp.int32)])
    dstp = jnp.concatenate([ei[1], jnp.full((EPAD - E,), TRASH, jnp.int32)])
    src2 = jnp.stack([srcp, srcp + NP]).reshape(2, 16, _NCHUNK, 128)
    dst16 = dstp.reshape(16, _NCHUNK, 128)
    dst32 = dstp.reshape(32, 40, 128)
    xpad = jnp.zeros((NP, D), jnp.float32).at[:N].set(x)
    zeros1 = jnp.zeros((NP,), jnp.float32)
    zeros2 = jnp.zeros((NP, HALF), jnp.float32)
    b1r = b1.reshape(1, D)
    b2r = b2.reshape(1, D)

    _deg, _agg = _sc_kernels()
    deg = _deg(dst32, zeros1)
    d0 = deg[0][:, None]
    d1 = deg[1][:, None]
    g1 = _mm_call(xpad, W1, d0, d1)
    acc1 = _agg(g1.reshape(2 * NP, HALF), src2, dst16, zeros2)
    g2 = _mid_call(acc1, g1, d0, d1, b1r, W2)
    acc2 = _agg(g2.reshape(2 * NP, HALF), src2, dst16, zeros2)
    out = _fin_call(acc2, g2, d0, d1, b2r)
    return out[:N]

# --- scband reference (transcript-rebuilt; emitter-appended) ---
"""Pipeline reference for scband-gcn-32624571580487 (READ-ONLY COPY).

The authoritative reference and input builder live on the scoring server;
editing this copy changes nothing except your own understanding.
"""

import jax, jax.numpy as jnp
import numpy as np

N_NODES = 10000
D_FEAT = 256
N_EDGES = 160000


def gcn_conv(x, edge_index, W, b, num_nodes):
    # torch_geometric GCNConv semantics: add self-loops, symmetric normalization,
    # linear transform, scatter-add aggregation, bias.
    src = edge_index[0]
    dst = edge_index[1]
    loop = jnp.arange(num_nodes, dtype=edge_index.dtype)
    src = jnp.concatenate([src, loop])
    dst = jnp.concatenate([dst, loop])
    deg = jnp.zeros((num_nodes,), dtype=x.dtype).at[dst].add(1.0)
    dinv = jnp.where(deg > 0, deg ** -0.5, 0.0)
    norm = dinv[src] * dinv[dst]
    h = x @ W  # linear transform
    msg = jnp.take(h, src, axis=0) * norm[:, None]
    out = jnp.zeros((num_nodes, h.shape[1]), dtype=x.dtype).at[dst].add(msg)
    return out + b


def setup_inputs(seed: int = 0) -> dict:
    key = jax.random.key(seed)
    k1, k2, k3, k4, k5 = jax.random.split(key, 5)
    x = jax.random.normal(k1, (N_NODES, D_FEAT), dtype=jnp.float32)
    edge_index = jax.random.randint(k2, (2, N_EDGES), 0, N_NODES, dtype=jnp.int64)
    scale = 1.0 / np.sqrt(D_FEAT)
    W1 = jax.random.uniform(k3, (D_FEAT, D_FEAT), dtype=jnp.float32, minval=-scale, maxval=scale)
    b1 = jnp.zeros((D_FEAT,), dtype=jnp.float32)
    W2 = jax.random.uniform(k4, (D_FEAT, D_FEAT), dtype=jnp.float32, minval=-scale, maxval=scale)
    b2 = jnp.zeros((D_FEAT,), dtype=jnp.float32)
    return {"x": x, "edge_index": edge_index, "W1": W1, "b1": b1, "W2": W2, "b2": b2}


def reference(x, edge_index, W1, b1, W2, b2):
    h = gcn_conv(x, edge_index, W1, b1, N_NODES)
    h = jax.nn.leaky_relu(h, negative_slope=0.01)
    h = gcn_conv(h, edge_index, W2, b2, N_NODES)
    h = jax.nn.leaky_relu(h, negative_slope=0.01)
    return h

if __name__ == "__main__":
    import jax
    _d = setup_inputs()
    print(jax.jit(kernel)(*tuple(_d.values())))

</pallas_src>

<mosaic_0001>
#map = affine_map<(d0, d1) -> (0, 0, 0)>
#map1 = affine_map<(d0, d1) -> (0)>
#map2 = affine_map<(d0, d1) -> (0, 0)>
module attributes {stable_mosaic.version = 14 : i64} {
  func.func @_deg_body(%arg0: i32, %arg1: i32, %arg2: memref<32x40x128xi32, #tpu.memory_space<hbm>>, %arg3: memref<10240xf32, #tpu.memory_space<hbm>>, %arg4: memref<2x10240xf32, #tpu.memory_space<hbm>>, %arg5: memref<40x128xi32, #tpu.memory_space<vmem>>, %arg6: memref<128xf32, #tpu.memory_space<vmem>>, %arg7: memref<10240xf32, #tpu.memory_space<vmem_shared>>) attributes {dimension_semantics = [#tpu.dimension_semantics<core_parallel>, #tpu.dimension_semantics<subcore_parallel>], iteration_bounds = array<i64: 2, 16>, scalar_prefetch = 0 : i64, scratch_operands = 3 : i64, tpu.core_type = #tpu.core_type<sc_vector_subcore>, window_params = [{transform_indices = #map}, {transform_indices = #map1}, {transform_indices = #map2}]} {
    %mul3A = arith.constant 16 : i32
    %mul3A_0 = arith.muli %arg0, %mul3A : i32
    %add3A = arith.addi %mul3A_0, %arg1 : i32
    %mul3A_1 = arith.constant 640 : i32
    %mul3A_2 = arith.muli %arg1, %mul3A_1 : i32
    %mul3A_3 = arith.constant 640 : i32
    %mul3A_4 = arith.muli %arg1, %mul3A_3 : i32
    "tpu.region"() ({
      %run_scoped3A = tpu.sem_alloc : memref<!tpu.dma_semaphore, #tpu.memory_space<semaphore_mem>>
      %dma_start3A = tpu.memref_slice %arg7[%mul3A_4] : memref<10240xf32, #tpu.memory_space<vmem_shared>> -> memref<640xf32, #tpu.memory_space<vmem_shared>>
      %dma_start3A_61 = tpu.memref_slice %arg3[%mul3A_2] : memref<10240xf32, #tpu.memory_space<hbm>> -> memref<640xf32, #tpu.memory_space<hbm>>
      tpu.enqueue_dma source(%dma_start3A_61 : memref<640xf32, #tpu.memory_space<hbm>>) target(%dma_start3A : memref<640xf32, #tpu.memory_space<vmem_shared>>) target_semaphore(%run_scoped3A : memref<!tpu.dma_semaphore, #tpu.memory_space<semaphore_mem>>)
      %dma_wait3A = tpu.memref_slice %arg7[%mul3A_4] : memref<10240xf32, #tpu.memory_space<vmem_shared>> -> memref<640xf32, #tpu.memory_space<vmem_shared>>
      %dma_wait3A_62 = tpu.memref_slice %arg3[%mul3A_2] : memref<10240xf32, #tpu.memory_space<hbm>> -> memref<640xf32, #tpu.memory_space<hbm>>
      tpu.wait_dma2 semaphore(%run_scoped3A : memref<!tpu.dma_semaphore, #tpu.memory_space<semaphore_mem>>) src(%dma_wait3A_62 : memref<640xf32, #tpu.memory_space<hbm>>) dst(%dma_wait3A : memref<640xf32, #tpu.memory_space<vmem_shared>>)
      tpu.yield
    }) : () -> ()
    "tpu.region"() ({
      %run_scoped3A = tpu.sem_alloc : memref<!tpu.dma_semaphore, #tpu.memory_space<semaphore_mem>>
      %dma_start3A = arith.constant 0 : i32
      %dma_start3A_61 = arith.constant 0 : i32
      %dma_start3A_62 = tpu.memref_slice %arg2[%add3A, %dma_start3A, %dma_start3A_61] : memref<32x40x128xi32, #tpu.memory_space<hbm>> -> memref<1x40x128xi32, #tpu.memory_space<hbm>>
      %dma_start3A_63 = tpu.memref_squeeze %dma_start3A_62 : memref<1x40x128xi32, #tpu.memory_space<hbm>> -> memref<40x128xi32, #tpu.memory_space<hbm>>
      %dma_start3A_64 = arith.constant 0 : i32
      %dma_start3A_65 = arith.constant 0 : i32
      %dma_start3A_66 = tpu.memref_slice %arg2[%add3A, %dma_start3A_64, %dma_start3A_65] : memref<32x40x128xi32, #tpu.memory_space<hbm>> -> memref<1x40x128xi32, #tpu.memory_space<hbm>>
      %dma_start3A_67 = tpu.memref_squeeze %dma_start3A_66 : memref<1x40x128xi32, #tpu.memory_space<hbm>> -> memref<40x128xi32, #tpu.memory_space<hbm>>
      tpu.enqueue_dma source(%dma_start3A_67 : memref<40x128xi32, #tpu.memory_space<hbm>>) target(%arg5 : memref<40x128xi32, #tpu.memory_space<vmem>>) target_semaphore(%run_scoped3A : memref<!tpu.dma_semaphore, #tpu.memory_space<semaphore_mem>>)
      %dma_wait3A = arith.constant 0 : i32
      %dma_wait3A_68 = arith.constant 0 : i32
      %dma_wait3A_69 = tpu.memref_slice %arg2[%add3A, %dma_wait3A, %dma_wait3A_68] : memref<32x40x128xi32, #tpu.memory_space<hbm>> -> memref<1x40x128xi32, #tpu.memory_space<hbm>>
      %dma_wait3A_70 = tpu.memref_squeeze %dma_wait3A_69 : memref<1x40x128xi32, #tpu.memory_space<hbm>> -> memref<40x128xi32, #tpu.memory_space<hbm>>
      %dma_wait3A_71 = arith.constant 0 : i32
      %dma_wait3A_72 = arith.constant 0 : i32
      %dma_wait3A_73 = tpu.memref_slice %arg2[%add3A, %dma_wait3A_71, %dma_wait3A_72] : memref<32x40x128xi32, #tpu.memory_space<hbm>> -> memref<1x40x128xi32, #tpu.memory_space<hbm>>
      %dma_wait3A_74 = tpu.memref_squeeze %dma_wait3A_73 : memref<1x40x128xi32, #tpu.memory_space<hbm>> -> memref<40x128xi32, #tpu.memory_space<hbm>>
      tpu.wait_dma2 semaphore(%run_scoped3A : memref<!tpu.dma_semaphore, #tpu.memory_space<semaphore_mem>>) src(%dma_wait3A_74 : memref<40x128xi32, #tpu.memory_space<hbm>>) dst(%arg5 : memref<40x128xi32, #tpu.memory_space<vmem>>)
      tpu.yield
    }) : () -> ()
    %broadcast_in_dim3A = arith.constant 1.000000e+00 : f32
    %broadcast_in_dim3A_5 = vector.broadcast %broadcast_in_dim3A : f32 to vector<16xf32>
    %swap3A = arith.constant 0 : index
    %swap3A_6 = tpu.vector_load %arg6[%swap3A] {strides = array<i32>} : memref<128xf32, #tpu.memory_space<vmem>>, vector<16xf32>,
    %swap3A_7 = vector.shape_cast %swap3A_6 : vector<16xf32> to vector<16xf32>
    %swap3A_8 = vector.shape_cast %broadcast_in_dim3A_5 : vector<16xf32> to vector<16xf32>
    tpu.vector_store %arg6[%swap3A], %swap3A_8 {strides = array<i32>} : memref<128xf32, #tpu.memory_space<vmem>>, vector<16xf32>,
    %broadcast_in_dim3A_9 = arith.constant 1.000000e+00 : f32
    %broadcast_in_dim3A_10 = vector.broadcast %broadcast_in_dim3A_9 : f32 to vector<16xf32>
    %swap3A_11 = arith.constant 16 : index
    %swap3A_12 = tpu.vector_load %arg6[%swap3A_11] {strides = array<i32>} : memref<128xf32, #tpu.memory_space<vmem>>, vector<16xf32>,
    %swap3A_13 = vector.shape_cast %swap3A_12 : vector<16xf32> to vector<16xf32>
    %swap3A_14 = vector.shape_cast %broadcast_in_dim3A_10 : vector<16xf32> to vector<16xf32>
    tpu.vector_store %arg6[%swap3A_11], %swap3A_14 {strides = array<i32>} : memref<128xf32, #tpu.memory_space<vmem>>, vector<16xf32>,
    %broadcast_in_dim3A_15 = arith.constant 1.000000e+00 : f32
    %broadcast_in_dim3A_16 = vector.broadcast %broadcast_in_dim3A_15 : f32 to vector<16xf32>
    %swap3A_17 = arith.constant 32 : index
    %swap3A_18 = tpu.vector_load %arg6[%swap3A_17] {strides = array<i32>} : memref<128xf32, #tpu.memory_space<vmem>>, vector<16xf32>,
    %swap3A_19 = vector.shape_cast %swap3A_18 : vector<16xf32> to vector<16xf32>
    %swap3A_20 = vector.shape_cast %broadcast_in_dim3A_16 : vector<16xf32> to vector<16xf32>
    tpu.vector_store %arg6[%swap3A_17], %swap3A_20 {strides = array<i32>} : memref<128xf32, #tpu.memory_space<vmem>>, vector<16xf32>,
    %broadcast_in_dim3A_21 = arith.constant 1.000000e+00 : f32
    %broadcast_in_dim3A_22 = vector.broadcast %broadcast_in_dim3A_21 : f32 to vector<16xf32>
    %swap3A_23 = arith.constant 48 : index
    %swap3A_24 = tpu.vector_load %arg6[%swap3A_23] {strides = array<i32>} : memref<128xf32, #tpu.memory_space<vmem>>, vector<16xf32>,
    %swap3A_25 = vector.shape_cast %swap3A_24 : vector<16xf32> to vector<16xf32>
    %swap3A_26 = vector.shape_cast %broadcast_in_dim3A_22 : vector<16xf32> to vector<16xf32>
    tpu.vector_store %arg6[%swap3A_23], %swap3A_26 {strides = array<i32>} : memref<128xf32, #tpu.memory_space<vmem>>, vector<16xf32>,
    %broadcast_in_dim3A_27 = arith.constant 1.000000e+00 : f32
    %broadcast_in_dim3A_28 = vector.broadcast %broadcast_in_dim3A_27 : f32 to vector<16xf32>
    %swap3A_29 = arith.constant 64 : index
    %swap3A_30 = tpu.vector_load %arg6[%swap3A_29] {strides = array<i32>} : memref<128xf32, #tpu.memory_space<vmem>>, vector<16xf32>,
    %swap3A_31 = vector.shape_cast %swap3A_30 : vector<16xf32> to vector<16xf32>
    %swap3A_32 = vector.shape_cast %broadcast_in_dim3A_28 : vector<16xf32> to vector<16xf32>
    tpu.vector_store %arg6[%swap3A_29], %swap3A_32 {strides = array<i32>} : memref<128xf32, #tpu.memory_space<vmem>>, vector<16xf32>,
    %broadcast_in_dim3A_33 = arith.constant 1.000000e+00 : f32
    %broadcast_in_dim3A_34 = vector.broadcast %broadcast_in_dim3A_33 : f32 to vector<16xf32>
    %swap3A_35 = arith.constant 80 : index
    %swap3A_36 = tpu.vector_load %arg6[%swap3A_35] {strides = array<i32>} : memref<128xf32, #tpu.memory_space<vmem>>, vector<16xf32>,
    %swap3A_37 = vector.shape_cast %swap3A_36 : vector<16xf32> to vector<16xf32>
    %swap3A_38 = vector.shape_cast %broadcast_in_dim3A_34 : vector<16xf32> to vector<16xf32>
    tpu.vector_store %arg6[%swap3A_35], %swap3A_38 {strides = array<i32>} : memref<128xf32, #tpu.memory_space<vmem>>, vector<16xf32>,
    %broadcast_in_dim3A_39 = arith.constant 1.000000e+00 : f32
    %broadcast_in_dim3A_40 = vector.broadcast %broadcast_in_dim3A_39 : f32 to vector<16xf32>
    %swap3A_41 = arith.constant 96 : index
    %swap3A_42 = tpu.vector_load %arg6[%swap3A_41] {strides = array<i32>} : memref<128xf32, #tpu.memory_space<vmem>>, vector<16xf32>,
    %swap3A_43 = vector.shape_cast %swap3A_42 : vector<16xf32> to vector<16xf32>
    %swap3A_44 = vector.shape_cast %broadcast_in_dim3A_40 : vector<16xf32> to vector<16xf32>
    tpu.vector_store %arg6[%swap3A_41], %swap3A_44 {strides = array<i32>} : memref<128xf32, #tpu.memory_space<vmem>>, vector<16xf32>,
    %broadcast_in_dim3A_45 = arith.constant 1.000000e+00 : f32
    %broadcast_in_dim3A_46 = vector.broadcast %broadcast_in_dim3A_45 : f32 to vector<16xf32>
    %swap3A_47 = arith.constant 112 : index
    %swap3A_48 = tpu.vector_load %arg6[%swap3A_47] {strides = array<i32>} : memref<128xf32, #tpu.memory_space<vmem>>, vector<16xf32>,
    %swap3A_49 = vector.shape_cast %swap3A_48 : vector<16xf32> to vector<16xf32>
    %swap3A_50 = vector.shape_cast %broadcast_in_dim3A_46 : vector<16xf32> to vector<16xf32>
    tpu.vector_store %arg6[%swap3A_47], %swap3A_50 {strides = array<i32>} : memref<128xf32, #tpu.memory_space<vmem>>, vector<16xf32>,
    %barrier3A = arith.constant 0 : index
    tpu.barrier barrier_id(%barrier3A)
    %scan3A = arith.constant 0 : i32
    %scan3A_51 = arith.constant 0 : i32
    %scan3A_52 = arith.constant 40 : i32
    %scan3A_53 = arith.addi %scan3A_51, %scan3A_52 : i32
    %scan3A_54 = arith.constant 1 : i32
    scf.for %scan3A_61 = %scan3A_51 to %scan3A_53 step %scan3A_54  : i32 {
      "tpu.region"() ({
        %run_scoped3A = tpu.sem_alloc : memref<!tpu.dma_semaphore, #tpu.memory_space<semaphore_mem>>
        %dma_start3A = arith.constant 0 : i32
        %dma_start3A_62 = tpu.memref_slice %arg5[%scan3A_61, %dma_start3A] : memref<40x128xi32, #tpu.memory_space<vmem>> -> memref<1x128xi32, #tpu.memory_space<vmem>>
        %dma_start3A_63 = tpu.memref_squeeze %dma_start3A_62 : memref<1x128xi32, #tpu.memory_space<vmem>> -> memref<128xi32, #tpu.memory_space<vmem>>
        %dma_start3A_64 = arith.constant 0 : i32
        %dma_start3A_65 = tpu.memref_slice %arg7[%dma_start3A_64] : memref<10240xf32, #tpu.memory_space<vmem_shared>> -> memref<10240xf32, #tpu.memory_space<vmem_shared>>
        tpu.enqueue_indirect_dma source(%arg6 : memref<128xf32, #tpu.memory_space<vmem>>) target(%dma_start3A_65 : memref<10240xf32, #tpu.memory_space<vmem_shared>>) offsets(%dma_start3A_63 : memref<128xi32, #tpu.memory_space<vmem>>) semaphore(%run_scoped3A : memref<!tpu.dma_semaphore, #tpu.memory_space<semaphore_mem>>) {add = true}
        %dma_wait3A = arith.constant 0 : i32
        %dma_wait3A_66 = tpu.memref_slice %arg5[%scan3A_61, %dma_wait3A] : memref<40x128xi32, #tpu.memory_space<vmem>> -> memref<1x128xi32, #tpu.memory_space<vmem>>
        %dma_wait3A_67 = tpu.memref_squeeze %dma_wait3A_66 : memref<1x128xi32, #tpu.memory_space<vmem>> -> memref<128xi32, #tpu.memory_space<vmem>>
        %dma_wait3A_68 = arith.constant 0 : i32
        %dma_wait3A_69 = tpu.memref_slice %arg7[%dma_wait3A_68] : memref<10240xf32, #tpu.memory_space<vmem_shared>> -> memref<10240xf32, #tpu.memory_space<vmem_shared>>
        tpu.wait_indirect_dma semaphore(%run_scoped3A : memref<!tpu.dma_semaphore, #tpu.memory_space<semaphore_mem>>) src(%arg6 : memref<128xf32, #tpu.memory_space<vmem>>) dst(%dma_wait3A_69 : memref<10240xf32, #tpu.memory_space<vmem_shared>>)
        tpu.yield
      }) : () -> ()
    }
    %scan3A_55 = arith.constant 40 : i32
    %barrier3A_56 = arith.constant 0 : index
    tpu.barrier barrier_id(%barrier3A_56)
    %mul3A_57 = arith.constant 640 : i32
    %mul3A_58 = arith.muli %arg1, %mul3A_57 : i32
    %mul3A_59 = arith.constant 640 : i32
    %mul3A_60 = arith.muli %arg1, %mul3A_59 : i32
    "tpu.region"() ({
      %run_scoped3A = tpu.sem_alloc : memref<!tpu.dma_semaphore, #tpu.memory_space<semaphore_mem>>
      %dma_start3A = tpu.memref_slice %arg4[%arg0, %mul3A_60] : memref<2x10240xf32, #tpu.memory_space<hbm>> -> memref<1x640xf32, #tpu.memory_space<hbm>>
      %dma_start3A_61 = tpu.memref_squeeze %dma_start3A : memref<1x640xf32, #tpu.memory_space<hbm>> -> memref<640xf32, #tpu.memory_space<hbm>>
      %dma_start3A_62 = tpu.memref_slice %arg7[%mul3A_58] : memref<10240xf32, #tpu.memory_space<vmem_shared>> -> memref<640xf32, #tpu.memory_space<vmem_shared>>
      tpu.enqueue_dma source(%dma_start3A_62 : memref<640xf32, #tpu.memory_space<vmem_shared>>) target(%dma_start3A_61 : memref<640xf32, #tpu.memory_space<hbm>>) target_semaphore(%run_scoped3A : memref<!tpu.dma_semaphore, #tpu.memory_space<semaphore_mem>>)
      %dma_wait3A = tpu.memref_slice %arg4[%arg0, %mul3A_60] : memref<2x10240xf32, #tpu.memory_space<hbm>> -> memref<1x640xf32, #tpu.memory_space<hbm>>
      %dma_wait3A_63 = tpu.memref_squeeze %dma_wait3A : memref<1x640xf32, #tpu.memory_space<hbm>> -> memref<640xf32, #tpu.memory_space<hbm>>
      %dma_wait3A_64 = tpu.memref_slice %arg7[%mul3A_58] : memref<10240xf32, #tpu.memory_space<vmem_shared>> -> memref<640xf32, #tpu.memory_space<vmem_shared>>
      tpu.wait_dma2 semaphore(%run_scoped3A : memref<!tpu.dma_semaphore, #tpu.memory_space<semaphore_mem>>) src(%dma_wait3A_64 : memref<640xf32, #tpu.memory_space<vmem_shared>>) dst(%dma_wait3A_63 : memref<640xf32, #tpu.memory_space<hbm>>)
      tpu.yield
    }) : () -> ()
    return
  }
}

#map = affine_map<(d0, d1) -> (0, 0)>
#map1 = affine_map<(d0, d1) -> (0, 0, 0, 0)>
#map2 = affine_map<(d0, d1) -> (0, 0, 0)>
module attributes {stable_mosaic.version = 14 : i64} {
  func.func @_agg_body(%arg0: i32, %arg1: i32, %arg2: memref<20480x128xf32, #tpu.memory_space<hbm>>, %arg3: memref<2x16x80x128xi32, #tpu.memory_space<hbm>>, %arg4: memref<16x80x128xi32, #tpu.memory_space<hbm>>, %arg5: memref<10240x128xf32, #tpu.memory_space<hbm>>, %arg6: memref<2x10240x128xf32, #tpu.memory_space<hbm>>, %arg7: memref<80x128xi32, #tpu.memory_space<vmem>>, %arg8: memref<80x128xi32, #tpu.memory_space<vmem>>, %arg9: memref<128x128xf32, #tpu.memory_space<vmem>>, %arg10: memref<10240x128xf32, #tpu.memory_space<vmem_shared>>, %arg11: memref<!tpu.dma_semaphore, #tpu.memory_space<semaphore_mem>>) attributes {dimension_semantics = [#tpu.dimension_semantics<core_parallel>, #tpu.dimension_semantics<subcore_parallel>], iteration_bounds = array<i64: 2, 16>, scalar_prefetch = 0 : i64, scratch_operands = 5 : i64, tpu.core_type = #tpu.core_type<sc_vector_subcore>, window_params = [{transform_indices = #map}, {transform_indices = #map1}, {transform_indices = #map2}, {transform_indices = #map}, {transform_indices = #map2}]} {
    %mul3A = arith.constant 640 : i32
    %mul3A_0 = arith.muli %arg1, %mul3A : i32
    %mul3A_1 = arith.constant 640 : i32
    %mul3A_2 = arith.muli %arg1, %mul3A_1 : i32
    "tpu.region"() ({
      %run_scoped3A = tpu.sem_alloc : memref<!tpu.dma_semaphore, #tpu.memory_space<semaphore_mem>>
      %dma_start3A = arith.constant 0 : i32
      %dma_start3A_13 = tpu.memref_slice %arg10[%mul3A_2, %dma_start3A] : memref<10240x128xf32, #tpu.memory_space<vmem_shared>> -> memref<640x128xf32, #tpu.memory_space<vmem_shared>>
      %dma_start3A_14 = arith.constant 0 : i32
      %dma_start3A_15 = tpu.memref_slice %arg5[%mul3A_0, %dma_start3A_14] : memref<10240x128xf32, #tpu.memory_space<hbm>> -> memref<640x128xf32, #tpu.memory_space<hbm>>
      tpu.enqueue_dma source(%dma_start3A_15 : memref<640x128xf32, #tpu.memory_space<hbm>>) target(%dma_start3A_13 : memref<640x128xf32, #tpu.memory_space<vmem_shared>>) target_semaphore(%run_scoped3A : memref<!tpu.dma_semaphore, #tpu.memory_space<semaphore_mem>>)
      %dma_wait3A = arith.constant 0 : i32
      %dma_wait3A_16 = tpu.memref_slice %arg10[%mul3A_2, %dma_wait3A] : memref<10240x128xf32, #tpu.memory_space<vmem_shared>> -> memref<640x128xf32, #tpu.memory_space<vmem_shared>>
      %dma_wait3A_17 = arith.constant 0 : i32
      %dma_wait3A_18 = tpu.memref_slice %arg5[%mul3A_0, %dma_wait3A_17] : memref<10240x128xf32, #tpu.memory_space<hbm>> -> memref<640x128xf32, #tpu.memory_space<hbm>>
      tpu.wait_dma2 semaphore(%run_scoped3A : memref<!tpu.dma_semaphore, #tpu.memory_space<semaphore_mem>>) src(%dma_wait3A_18 : memref<640x128xf32, #tpu.memory_space<hbm>>) dst(%dma_wait3A_16 : memref<640x128xf32, #tpu.memory_space<vmem_shared>>)
      tpu.yield
    }) : () -> ()
    "tpu.region"() ({
      %run_scoped3A = tpu.sem_alloc : memref<!tpu.dma_semaphore, #tpu.memory_space<semaphore_mem>>
      %dma_start3A = arith.constant 0 : i32
      %dma_start3A_13 = arith.constant 0 : i32
      %dma_start3A_14 = tpu.memref_slice %arg3[%arg0, %arg1, %dma_start3A, %dma_start3A_13] : memref<2x16x80x128xi32, #tpu.memory_space<hbm>> -> memref<1x1x80x128xi32, #tpu.memory_space<hbm>>
      %dma_start3A_15 = tpu.memref_squeeze %dma_start3A_14 : memref<1x1x80x128xi32, #tpu.memory_space<hbm>> -> memref<80x128xi32, #tpu.memory_space<hbm>>
      %dma_start3A_16 = arith.constant 0 : i32
      %dma_start3A_17 = arith.constant 0 : i32
      %dma_start3A_18 = tpu.memref_slice %arg3[%arg0, %arg1, %dma_start3A_16, %dma_start3A_17] : memref<2x16x80x128xi32, #tpu.memory_space<hbm>> -> memref<1x1x80x128xi32, #tpu.memory_space<hbm>>
      %dma_start3A_19 = tpu.memref_squeeze %dma_start3A_18 : memref<1x1x80x128xi32, #tpu.memory_space<hbm>> -> memref<80x128xi32, #tpu.memory_space<hbm>>
      tpu.enqueue_dma source(%dma_start3A_19 : memref<80x128xi32, #tpu.memory_space<hbm>>) target(%arg7 : memref<80x128xi32, #tpu.memory_space<vmem>>) target_semaphore(%run_scoped3A : memref<!tpu.dma_semaphore, #tpu.memory_space<semaphore_mem>>)
      %dma_wait3A = arith.constant 0 : i32
      %dma_wait3A_20 = arith.constant 0 : i32
      %dma_wait3A_21 = tpu.memref_slice %arg3[%arg0, %arg1, %dma_wait3A, %dma_wait3A_20] : memref<2x16x80x128xi32, #tpu.memory_space<hbm>> -> memref<1x1x80x128xi32, #tpu.memory_space<hbm>>
      %dma_wait3A_22 = tpu.memref_squeeze %dma_wait3A_21 : memref<1x1x80x128xi32, #tpu.memory_space<hbm>> -> memref<80x128xi32, #tpu.memory_space<hbm>>
      %dma_wait3A_23 = arith.constant 0 : i32
      %dma_wait3A_24 = arith.constant 0 : i32
      %dma_wait3A_25 = tpu.memref_slice %arg3[%arg0, %arg1, %dma_wait3A_23, %dma_wait3A_24] : memref<2x16x80x128xi32, #tpu.memory_space<hbm>> -> memref<1x1x80x128xi32, #tpu.memory_space<hbm>>
      %dma_wait3A_26 = tpu.memref_squeeze %dma_wait3A_25 : memref<1x1x80x128xi32, #tpu.memory_space<hbm>> -> memref<80x128xi32, #tpu.memory_space<hbm>>
      tpu.wait_dma2 semaphore(%run_scoped3A : memref<!tpu.dma_semaphore, #tpu.memory_space<semaphore_mem>>) src(%dma_wait3A_26 : memref<80x128xi32, #tpu.memory_space<hbm>>) dst(%arg7 : memref<80x128xi32, #tpu.memory_space<vmem>>)
      tpu.yield
    }) : () -> ()
    "tpu.region"() ({
      %run_scoped3A = tpu.sem_alloc : memref<!tpu.dma_semaphore, #tpu.memory_space<semaphore_mem>>
      %dma_start3A = arith.constant 0 : i32
      %dma_start3A_13 = arith.constant 0 : i32
      %dma_start3A_14 = tpu.memref_slice %arg4[%arg1, %dma_start3A, %dma_start3A_13] : memref<16x80x128xi32, #tpu.memory_space<hbm>> -> memref<1x80x128xi32, #tpu.memory_space<hbm>>
      %dma_start3A_15 = tpu.memref_squeeze %dma_start3A_14 : memref<1x80x128xi32, #tpu.memory_space<hbm>> -> memref<80x128xi32, #tpu.memory_space<hbm>>
      %dma_start3A_16 = arith.constant 0 : i32
      %dma_start3A_17 = arith.constant 0 : i32
      %dma_start3A_18 = tpu.memref_slice %arg4[%arg1, %dma_start3A_16, %dma_start3A_17] : memref<16x80x128xi32, #tpu.memory_space<hbm>> -> memref<1x80x128xi32, #tpu.memory_space<hbm>>
      %dma_start3A_19 = tpu.memref_squeeze %dma_start3A_18 : memref<1x80x128xi32, #tpu.memory_space<hbm>> -> memref<80x128xi32, #tpu.memory_space<hbm>>
      tpu.enqueue_dma source(%dma_start3A_19 : memref<80x128xi32, #tpu.memory_space<hbm>>) target(%arg8 : memref<80x128xi32, #tpu.memory_space<vmem>>) target_semaphore(%run_scoped3A : memref<!tpu.dma_semaphore, #tpu.memory_space<semaphore_mem>>)
      %dma_wait3A = arith.constant 0 : i32
      %dma_wait3A_20 = arith.constant 0 : i32
      %dma_wait3A_21 = tpu.memref_slice %arg4[%arg1, %dma_wait3A, %dma_wait3A_20] : memref<16x80x128xi32, #tpu.memory_space<hbm>> -> memref<1x80x128xi32, #tpu.memory_space<hbm>>
      %dma_wait3A_22 = tpu.memref_squeeze %dma_wait3A_21 : memref<1x80x128xi32, #tpu.memory_space<hbm>> -> memref<80x128xi32, #tpu.memory_space<hbm>>
      %dma_wait3A_23 = arith.constant 0 : i32
      %dma_wait3A_24 = arith.constant 0 : i32
      %dma_wait3A_25 = tpu.memref_slice %arg4[%arg1, %dma_wait3A_23, %dma_wait3A_24] : memref<16x80x128xi32, #tpu.memory_space<hbm>> -> memref<1x80x128xi32, #tpu.memory_space<hbm>>
      %dma_wait3A_26 = tpu.memref_squeeze %dma_wait3A_25 : memref<1x80x128xi32, #tpu.memory_space<hbm>> -> memref<80x128xi32, #tpu.memory_space<hbm>>
      tpu.wait_dma2 semaphore(%run_scoped3A : memref<!tpu.dma_semaphore, #tpu.memory_space<semaphore_mem>>) src(%dma_wait3A_26 : memref<80x128xi32, #tpu.memory_space<hbm>>) dst(%arg8 : memref<80x128xi32, #tpu.memory_space<vmem>>)
      tpu.yield
    }) : () -> ()
    %barrier3A = arith.constant 0 : index
    tpu.barrier barrier_id(%barrier3A)
    %scan3A = arith.constant 0 : i32
    %scan3A_3 = arith.constant 0 : i32
    %scan3A_4 = arith.constant 80 : i32
    %scan3A_5 = arith.addi %scan3A_3, %scan3A_4 : i32
    %scan3A_6 = arith.constant 1 : i32
    scf.for %scan3A_13 = %scan3A_3 to %scan3A_5 step %scan3A_6  : i32 {
      %dma_start3A = arith.constant 0 : i32
      %dma_start3A_14 = tpu.memref_slice %arg7[%scan3A_13, %dma_start3A] : memref<80x128xi32, #tpu.memory_space<vmem>> -> memref<1x128xi32, #tpu.memory_space<vmem>>
      %dma_start3A_15 = tpu.memref_squeeze %dma_start3A_14 : memref<1x128xi32, #tpu.memory_space<vmem>> -> memref<128xi32, #tpu.memory_space<vmem>>
      %dma_start3A_16 = arith.constant 0 : i32
      %dma_start3A_17 = arith.constant 0 : i32
      %dma_start3A_18 = tpu.memref_slice %arg2[%dma_start3A_16, %dma_start3A_17] : memref<20480x128xf32, #tpu.memory_space<hbm>> -> memref<20480x128xf32, #tpu.memory_space<hbm>>
      tpu.enqueue_indirect_dma source(%dma_start3A_18 : memref<20480x128xf32, #tpu.memory_space<hbm>>) target(%arg9 : memref<128x128xf32, #tpu.memory_space<vmem>>) offsets(%dma_start3A_15 : memref<128xi32, #tpu.memory_space<vmem>>) semaphore(%arg11 : memref<!tpu.dma_semaphore, #tpu.memory_space<semaphore_mem>>)
      %dma_wait3A = arith.constant 0 : i32
      %dma_wait3A_19 = tpu.memref_slice %arg7[%scan3A_13, %dma_wait3A] : memref<80x128xi32, #tpu.memory_space<vmem>> -> memref<1x128xi32, #tpu.memory_space<vmem>>
      %dma_wait3A_20 = tpu.memref_squeeze %dma_wait3A_19 : memref<1x128xi32, #tpu.memory_space<vmem>> -> memref<128xi32, #tpu.memory_space<vmem>>
      %dma_wait3A_21 = arith.constant 0 : i32
      %dma_wait3A_22 = arith.constant 0 : i32
      %dma_wait3A_23 = tpu.memref_slice %arg2[%dma_wait3A_21, %dma_wait3A_22] : memref<20480x128xf32, #tpu.memory_space<hbm>> -> memref<20480x128xf32, #tpu.memory_space<hbm>>
      tpu.wait_indirect_dma semaphore(%arg11 : memref<!tpu.dma_semaphore, #tpu.memory_space<semaphore_mem>>) src(%dma_wait3A_23 : memref<20480x128xf32, #tpu.memory_space<hbm>>) dst(%arg9 : memref<128x128xf32, #tpu.memory_space<vmem>>)
      "tpu.region"() ({
        %run_scoped3A = tpu.sem_alloc : memref<!tpu.dma_semaphore, #tpu.memory_space<semaphore_mem>>
        %dma_start3A_24 = arith.constant 0 : i32
        %dma_start3A_25 = tpu.memref_slice %arg8[%scan3A_13, %dma_start3A_24] : memref<80x128xi32, #tpu.memory_space<vmem>> -> memref<1x128xi32, #tpu.memory_space<vmem>>
        %dma_start3A_26 = tpu.memref_squeeze %dma_start3A_25 : memref<1x128xi32, #tpu.memory_space<vmem>> -> memref<128xi32, #tpu.memory_space<vmem>>
        %dma_start3A_27 = arith.constant 0 : i32
        %dma_start3A_28 = arith.constant 0 : i32
        %dma_start3A_29 = tpu.memref_slice %arg10[%dma_start3A_27, %dma_start3A_28] : memref<10240x128xf32, #tpu.memory_space<vmem_shared>> -> memref<10240x128xf32, #tpu.memory_space<vmem_shared>>
        tpu.enqueue_indirect_dma source(%arg9 : memref<128x128xf32, #tpu.memory_space<vmem>>) target(%dma_start3A_29 : memref<10240x128xf32, #tpu.memory_space<vmem_shared>>) offsets(%dma_start3A_26 : memref<128xi32, #tpu.memory_space<vmem>>) semaphore(%run_scoped3A : memref<!tpu.dma_semaphore, #tpu.memory_space<semaphore_mem>>) {add = true}
        %dma_wait3A_30 = arith.constant 0 : i32
        %dma_wait3A_31 = tpu.memref_slice %arg8[%scan3A_13, %dma_wait3A_30] : memref<80x128xi32, #tpu.memory_space<vmem>> -> memref<1x128xi32, #tpu.memory_space<vmem>>
        %dma_wait3A_32 = tpu.memref_squeeze %dma_wait3A_31 : memref<1x128xi32, #tpu.memory_space<vmem>> -> memref<128xi32, #tpu.memory_space<vmem>>
        %dma_wait3A_33 = arith.constant 0 : i32
        %dma_wait3A_34 = arith.constant 0 : i32
        %dma_wait3A_35 = tpu.memref_slice %arg10[%dma_wait3A_33, %dma_wait3A_34] : memref<10240x128xf32, #tpu.memory_space<vmem_shared>> -> memref<10240x128xf32, #tpu.memory_space<vmem_shared>>
        tpu.wait_indirect_dma semaphore(%run_scoped3A : memref<!tpu.dma_semaphore, #tpu.memory_space<semaphore_mem>>) src(%arg9 : memref<128x128xf32, #tpu.memory_space<vmem>>) dst(%dma_wait3A_35 : memref<10240x128xf32, #tpu.memory_space<vmem_shared>>)
        tpu.yield
      }) : () -> ()
    }
    %scan3A_7 = arith.constant 80 : i32
    %barrier3A_8 = arith.constant 0 : index
    tpu.barrier barrier_id(%barrier3A_8)
    %mul3A_9 = arith.constant 640 : i32
    %mul3A_10 = arith.muli %arg1, %mul3A_9 : i32
    %mul3A_11 = arith.constant 640 : i32
    %mul3A_12 = arith.muli %arg1, %mul3A_11 : i32
    "tpu.region"() ({
      %run_scoped3A = tpu.sem_alloc : memref<!tpu.dma_semaphore, #tpu.memory_space<semaphore_mem>>
      %dma_start3A = arith.constant 0 : i32
      %dma_start3A_13 = tpu.memref_slice %arg6[%arg0, %mul3A_12, %dma_start3A] : memref<2x10240x128xf32, #tpu.memory_space<hbm>> -> memref<1x640x128xf32, #tpu.memory_space<hbm>>
      %dma_start3A_14 = tpu.memref_squeeze %dma_start3A_13 : memref<1x640x128xf32, #tpu.memory_space<hbm>> -> memref<640x128xf32, #tpu.memory_space<hbm>>
      %dma_start3A_15 = arith.constant 0 : i32
      %dma_start3A_16 = tpu.memref_slice %arg10[%mul3A_10, %dma_start3A_15] : memref<10240x128xf32, #tpu.memory_space<vmem_shared>> -> memref<640x128xf32, #tpu.memory_space<vmem_shared>>
      tpu.enqueue_dma source(%dma_start3A_16 : memref<640x128xf32, #tpu.memory_space<vmem_shared>>) target(%dma_start3A_14 : memref<640x128xf32, #tpu.memory_space<hbm>>) target_semaphore(%run_scoped3A : memref<!tpu.dma_semaphore, #tpu.memory_space<semaphore_mem>>)
      %dma_wait3A = arith.constant 0 : i32
      %dma_wait3A_17 = tpu.memref_slice %arg6[%arg0, %mul3A_12, %dma_wait3A] : memref<2x10240x128xf32, #tpu.memory_space<hbm>> -> memref<1x640x128xf32, #tpu.memory_space<hbm>>
      %dma_wait3A_18 = tpu.memref_squeeze %dma_wait3A_17 : memref<1x640x128xf32, #tpu.memory_space<hbm>> -> memref<640x128xf32, #tpu.memory_space<hbm>>
      %dma_wait3A_19 = arith.constant 0 : i32
      %dma_wait3A_20 = tpu.memref_slice %arg10[%mul3A_10, %dma_wait3A_19] : memref<10240x128xf32, #tpu.memory_space<vmem_shared>> -> memref<640x128xf32, #tpu.memory_space<vmem_shared>>
      tpu.wait_dma2 semaphore(%run_scoped3A : memref<!tpu.dma_semaphore, #tpu.memory_space<semaphore_mem>>) src(%dma_wait3A_20 : memref<640x128xf32, #tpu.memory_space<vmem_shared>>) dst(%dma_wait3A_18 : memref<640x128xf32, #tpu.memory_space<hbm>>)
      tpu.yield
    }) : () -> ()
    return
  }
}

#map = affine_map<(d0, d1) -> (0, 0)>
#map1 = affine_map<(d0, d1) -> (0, 0, 0, 0)>
#map2 = affine_map<(d0, d1) -> (0, 0, 0)>
module attributes {stable_mosaic.version = 14 : i64} {
  func.func @_agg_body(%arg0: i32, %arg1: i32, %arg2: memref<20480x128xf32, #tpu.memory_space<hbm>>, %arg3: memref<2x16x80x128xi32, #tpu.memory_space<hbm>>, %arg4: memref<16x80x128xi32, #tpu.memory_space<hbm>>, %arg5: memref<10240x128xf32, #tpu.memory_space<hbm>>, %arg6: memref<2x10240x128xf32, #tpu.memory_space<hbm>>, %arg7: memref<80x128xi32, #tpu.memory_space<vmem>>, %arg8: memref<80x128xi32, #tpu.memory_space<vmem>>, %arg9: memref<128x128xf32, #tpu.memory_space<vmem>>, %arg10: memref<10240x128xf32, #tpu.memory_space<vmem_shared>>, %arg11: memref<!tpu.dma_semaphore, #tpu.memory_space<semaphore_mem>>) attributes {dimension_semantics = [#tpu.dimension_semantics<core_parallel>, #tpu.dimension_semantics<subcore_parallel>], iteration_bounds = array<i64: 2, 16>, scalar_prefetch = 0 : i64, scratch_operands = 5 : i64, tpu.core_type = #tpu.core_type<sc_vector_subcore>, window_params = [{transform_indices = #map}, {transform_indices = #map1}, {transform_indices = #map2}, {transform_indices = #map}, {transform_indices = #map2}]} {
    %mul3A = arith.constant 640 : i32
    %mul3A_0 = arith.muli %arg1, %mul3A : i32
    %mul3A_1 = arith.constant 640 : i32
    %mul3A_2 = arith.muli %arg1, %mul3A_1 : i32
    "tpu.region"() ({
      %run_scoped3A = tpu.sem_alloc : memref<!tpu.dma_semaphore, #tpu.memory_space<semaphore_mem>>
      %dma_start3A = arith.constant 0 : i32
      %dma_start3A_13 = tpu.memref_slice %arg10[%mul3A_2, %dma_start3A] : memref<10240x128xf32, #tpu.memory_space<vmem_shared>> -> memref<640x128xf32, #tpu.memory_space<vmem_shared>>
      %dma_start3A_14 = arith.constant 0 : i32
      %dma_start3A_15 = tpu.memref_slice %arg5[%mul3A_0, %dma_start3A_14] : memref<10240x128xf32, #tpu.memory_space<hbm>> -> memref<640x128xf32, #tpu.memory_space<hbm>>
      tpu.enqueue_dma source(%dma_start3A_15 : memref<640x128xf32, #tpu.memory_space<hbm>>) target(%dma_start3A_13 : memref<640x128xf32, #tpu.memory_space<vmem_shared>>) target_semaphore(%run_scoped3A : memref<!tpu.dma_semaphore, #tpu.memory_space<semaphore_mem>>)
      %dma_wait3A = arith.constant 0 : i32
      %dma_wait3A_16 = tpu.memref_slice %arg10[%mul3A_2, %dma_wait3A] : memref<10240x128xf32, #tpu.memory_space<vmem_shared>> -> memref<640x128xf32, #tpu.memory_space<vmem_shared>>
      %dma_wait3A_17 = arith.constant 0 : i32
      %dma_wait3A_18 = tpu.memref_slice %arg5[%mul3A_0, %dma_wait3A_17] : memref<10240x128xf32, #tpu.memory_space<hbm>> -> memref<640x128xf32, #tpu.memory_space<hbm>>
      tpu.wait_dma2 semaphore(%run_scoped3A : memref<!tpu.dma_semaphore, #tpu.memory_space<semaphore_mem>>) src(%dma_wait3A_18 : memref<640x128xf32, #tpu.memory_space<hbm>>) dst(%dma_wait3A_16 : memref<640x128xf32, #tpu.memory_space<vmem_shared>>)
      tpu.yield
    }) : () -> ()
    "tpu.region"() ({
      %run_scoped3A = tpu.sem_alloc : memref<!tpu.dma_semaphore, #tpu.memory_space<semaphore_mem>>
      %dma_start3A = arith.constant 0 : i32
      %dma_start3A_13 = arith.constant 0 : i32
      %dma_start3A_14 = tpu.memref_slice %arg3[%arg0, %arg1, %dma_start3A, %dma_start3A_13] : memref<2x16x80x128xi32, #tpu.memory_space<hbm>> -> memref<1x1x80x128xi32, #tpu.memory_space<hbm>>
      %dma_start3A_15 = tpu.memref_squeeze %dma_start3A_14 : memref<1x1x80x128xi32, #tpu.memory_space<hbm>> -> memref<80x128xi32, #tpu.memory_space<hbm>>
      %dma_start3A_16 = arith.constant 0 : i32
      %dma_start3A_17 = arith.constant 0 : i32
      %dma_start3A_18 = tpu.memref_slice %arg3[%arg0, %arg1, %dma_start3A_16, %dma_start3A_17] : memref<2x16x80x128xi32, #tpu.memory_space<hbm>> -> memref<1x1x80x128xi32, #tpu.memory_space<hbm>>
      %dma_start3A_19 = tpu.memref_squeeze %dma_start3A_18 : memref<1x1x80x128xi32, #tpu.memory_space<hbm>> -> memref<80x128xi32, #tpu.memory_space<hbm>>
      tpu.enqueue_dma source(%dma_start3A_19 : memref<80x128xi32, #tpu.memory_space<hbm>>) target(%arg7 : memref<80x128xi32, #tpu.memory_space<vmem>>) target_semaphore(%run_scoped3A : memref<!tpu.dma_semaphore, #tpu.memory_space<semaphore_mem>>)
      %dma_wait3A = arith.constant 0 : i32
      %dma_wait3A_20 = arith.constant 0 : i32
      %dma_wait3A_21 = tpu.memref_slice %arg3[%arg0, %arg1, %dma_wait3A, %dma_wait3A_20] : memref<2x16x80x128xi32, #tpu.memory_space<hbm>> -> memref<1x1x80x128xi32, #tpu.memory_space<hbm>>
      %dma_wait3A_22 = tpu.memref_squeeze %dma_wait3A_21 : memref<1x1x80x128xi32, #tpu.memory_space<hbm>> -> memref<80x128xi32, #tpu.memory_space<hbm>>
      %dma_wait3A_23 = arith.constant 0 : i32
      %dma_wait3A_24 = arith.constant 0 : i32
      %dma_wait3A_25 = tpu.memref_slice %arg3[%arg0, %arg1, %dma_wait3A_23, %dma_wait3A_24] : memref<2x16x80x128xi32, #tpu.memory_space<hbm>> -> memref<1x1x80x128xi32, #tpu.memory_space<hbm>>
      %dma_wait3A_26 = tpu.memref_squeeze %dma_wait3A_25 : memref<1x1x80x128xi32, #tpu.memory_space<hbm>> -> memref<80x128xi32, #tpu.memory_space<hbm>>
      tpu.wait_dma2 semaphore(%run_scoped3A : memref<!tpu.dma_semaphore, #tpu.memory_space<semaphore_mem>>) src(%dma_wait3A_26 : memref<80x128xi32, #tpu.memory_space<hbm>>) dst(%arg7 : memref<80x128xi32, #tpu.memory_space<vmem>>)
      tpu.yield
    }) : () -> ()
    "tpu.region"() ({
      %run_scoped3A = tpu.sem_alloc : memref<!tpu.dma_semaphore, #tpu.memory_space<semaphore_mem>>
      %dma_start3A = arith.constant 0 : i32
      %dma_start3A_13 = arith.constant 0 : i32
      %dma_start3A_14 = tpu.memref_slice %arg4[%arg1, %dma_start3A, %dma_start3A_13] : memref<16x80x128xi32, #tpu.memory_space<hbm>> -> memref<1x80x128xi32, #tpu.memory_space<hbm>>
      %dma_start3A_15 = tpu.memref_squeeze %dma_start3A_14 : memref<1x80x128xi32, #tpu.memory_space<hbm>> -> memref<80x128xi32, #tpu.memory_space<hbm>>
      %dma_start3A_16 = arith.constant 0 : i32
      %dma_start3A_17 = arith.constant 0 : i32
      %dma_start3A_18 = tpu.memref_slice %arg4[%arg1, %dma_start3A_16, %dma_start3A_17] : memref<16x80x128xi32, #tpu.memory_space<hbm>> -> memref<1x80x128xi32, #tpu.memory_space<hbm>>
      %dma_start3A_19 = tpu.memref_squeeze %dma_start3A_18 : memref<1x80x128xi32, #tpu.memory_space<hbm>> -> memref<80x128xi32, #tpu.memory_space<hbm>>
      tpu.enqueue_dma source(%dma_start3A_19 : memref<80x128xi32, #tpu.memory_space<hbm>>) target(%arg8 : memref<80x128xi32, #tpu.memory_space<vmem>>) target_semaphore(%run_scoped3A : memref<!tpu.dma_semaphore, #tpu.memory_space<semaphore_mem>>)
      %dma_wait3A = arith.constant 0 : i32
      %dma_wait3A_20 = arith.constant 0 : i32
      %dma_wait3A_21 = tpu.memref_slice %arg4[%arg1, %dma_wait3A, %dma_wait3A_20] : memref<16x80x128xi32, #tpu.memory_space<hbm>> -> memref<1x80x128xi32, #tpu.memory_space<hbm>>
      %dma_wait3A_22 = tpu.memref_squeeze %dma_wait3A_21 : memref<1x80x128xi32, #tpu.memory_space<hbm>> -> memref<80x128xi32, #tpu.memory_space<hbm>>
      %dma_wait3A_23 = arith.constant 0 : i32
      %dma_wait3A_24 = arith.constant 0 : i32
      %dma_wait3A_25 = tpu.memref_slice %arg4[%arg1, %dma_wait3A_23, %dma_wait3A_24] : memref<16x80x128xi32, #tpu.memory_space<hbm>> -> memref<1x80x128xi32, #tpu.memory_space<hbm>>
      %dma_wait3A_26 = tpu.memref_squeeze %dma_wait3A_25 : memref<1x80x128xi32, #tpu.memory_space<hbm>> -> memref<80x128xi32, #tpu.memory_space<hbm>>
      tpu.wait_dma2 semaphore(%run_scoped3A : memref<!tpu.dma_semaphore, #tpu.memory_space<semaphore_mem>>) src(%dma_wait3A_26 : memref<80x128xi32, #tpu.memory_space<hbm>>) dst(%arg8 : memref<80x128xi32, #tpu.memory_space<vmem>>)
      tpu.yield
    }) : () -> ()
    %barrier3A = arith.constant 0 : index
    tpu.barrier barrier_id(%barrier3A)
    %scan3A = arith.constant 0 : i32
    %scan3A_3 = arith.constant 0 : i32
    %scan3A_4 = arith.constant 80 : i32
    %scan3A_5 = arith.addi %scan3A_3, %scan3A_4 : i32
    %scan3A_6 = arith.constant 1 : i32
    scf.for %scan3A_13 = %scan3A_3 to %scan3A_5 step %scan3A_6  : i32 {
      %dma_start3A = arith.constant 0 : i32
      %dma_start3A_14 = tpu.memref_slice %arg7[%scan3A_13, %dma_start3A] : memref<80x128xi32, #tpu.memory_space<vmem>> -> memref<1x128xi32, #tpu.memory_space<vmem>>
      %dma_start3A_15 = tpu.memref_squeeze %dma_start3A_14 : memref<1x128xi32, #tpu.memory_space<vmem>> -> memref<128xi32, #tpu.memory_space<vmem>>
      %dma_start3A_16 = arith.constant 0 : i32
      %dma_start3A_17 = arith.constant 0 : i32
      %dma_start3A_18 = tpu.memref_slice %arg2[%dma_start3A_16, %dma_start3A_17] : memref<20480x128xf32, #tpu.memory_space<hbm>> -> memref<20480x128xf32, #tpu.memory_space<hbm>>
      tpu.enqueue_indirect_dma source(%dma_start3A_18 : memref<20480x128xf32, #tpu.memory_space<hbm>>) target(%arg9 : memref<128x128xf32, #tpu.memory_space<vmem>>) offsets(%dma_start3A_15 : memref<128xi32, #tpu.memory_space<vmem>>) semaphore(%arg11 : memref<!tpu.dma_semaphore, #tpu.memory_space<semaphore_mem>>)
      %dma_wait3A = arith.constant 0 : i32
      %dma_wait3A_19 = tpu.memref_slice %arg7[%scan3A_13, %dma_wait3A] : memref<80x128xi32, #tpu.memory_space<vmem>> -> memref<1x128xi32, #tpu.memory_space<vmem>>
      %dma_wait3A_20 = tpu.memref_squeeze %dma_wait3A_19 : memref<1x128xi32, #tpu.memory_space<vmem>> -> memref<128xi32, #tpu.memory_space<vmem>>
      %dma_wait3A_21 = arith.constant 0 : i32
      %dma_wait3A_22 = arith.constant 0 : i32
      %dma_wait3A_23 = tpu.memref_slice %arg2[%dma_wait3A_21, %dma_wait3A_22] : memref<20480x128xf32, #tpu.memory_space<hbm>> -> memref<20480x128xf32, #tpu.memory_space<hbm>>
      tpu.wait_indirect_dma semaphore(%arg11 : memref<!tpu.dma_semaphore, #tpu.memory_space<semaphore_mem>>) src(%dma_wait3A_23 : memref<20480x128xf32, #tpu.memory_space<hbm>>) dst(%arg9 : memref<128x128xf32, #tpu.memory_space<vmem>>)
      "tpu.region"() ({
        %run_scoped3A = tpu.sem_alloc : memref<!tpu.dma_semaphore, #tpu.memory_space<semaphore_mem>>
        %dma_start3A_24 = arith.constant 0 : i32
        %dma_start3A_25 = tpu.memref_slice %arg8[%scan3A_13, %dma_start3A_24] : memref<80x128xi32, #tpu.memory_space<vmem>> -> memref<1x128xi32, #tpu.memory_space<vmem>>
        %dma_start3A_26 = tpu.memref_squeeze %dma_start3A_25 : memref<1x128xi32, #tpu.memory_space<vmem>> -> memref<128xi32, #tpu.memory_space<vmem>>
        %dma_start3A_27 = arith.constant 0 : i32
        %dma_start3A_28 = arith.constant 0 : i32
        %dma_start3A_29 = tpu.memref_slice %arg10[%dma_start3A_27, %dma_start3A_28] : memref<10240x128xf32, #tpu.memory_space<vmem_shared>> -> memref<10240x128xf32, #tpu.memory_space<vmem_shared>>
        tpu.enqueue_indirect_dma source(%arg9 : memref<128x128xf32, #tpu.memory_space<vmem>>) target(%dma_start3A_29 : memref<10240x128xf32, #tpu.memory_space<vmem_shared>>) offsets(%dma_start3A_26 : memref<128xi32, #tpu.memory_space<vmem>>) semaphore(%run_scoped3A : memref<!tpu.dma_semaphore, #tpu.memory_space<semaphore_mem>>) {add = true}
        %dma_wait3A_30 = arith.constant 0 : i32
        %dma_wait3A_31 = tpu.memref_slice %arg8[%scan3A_13, %dma_wait3A_30] : memref<80x128xi32, #tpu.memory_space<vmem>> -> memref<1x128xi32, #tpu.memory_space<vmem>>
        %dma_wait3A_32 = tpu.memref_squeeze %dma_wait3A_31 : memref<1x128xi32, #tpu.memory_space<vmem>> -> memref<128xi32, #tpu.memory_space<vmem>>
        %dma_wait3A_33 = arith.constant 0 : i32
        %dma_wait3A_34 = arith.constant 0 : i32
        %dma_wait3A_35 = tpu.memref_slice %arg10[%dma_wait3A_33, %dma_wait3A_34] : memref<10240x128xf32, #tpu.memory_space<vmem_shared>> -> memref<10240x128xf32, #tpu.memory_space<vmem_shared>>
        tpu.wait_indirect_dma semaphore(%run_scoped3A : memref<!tpu.dma_semaphore, #tpu.memory_space<semaphore_mem>>) src(%arg9 : memref<128x128xf32, #tpu.memory_space<vmem>>) dst(%dma_wait3A_35 : memref<10240x128xf32, #tpu.memory_space<vmem_shared>>)
        tpu.yield
      }) : () -> ()
    }
    %scan3A_7 = arith.constant 80 : i32
    %barrier3A_8 = arith.constant 0 : index
    tpu.barrier barrier_id(%barrier3A_8)
    %mul3A_9 = arith.constant 640 : i32
    %mul3A_10 = arith.muli %arg1, %mul3A_9 : i32
    %mul3A_11 = arith.constant 640 : i32
    %mul3A_12 = arith.muli %arg1, %mul3A_11 : i32
    "tpu.region"() ({
      %run_scoped3A = tpu.sem_alloc : memref<!tpu.dma_semaphore, #tpu.memory_space<semaphore_mem>>
      %dma_start3A = arith.constant 0 : i32
      %dma_start3A_13 = tpu.memref_slice %arg6[%arg0, %mul3A_12, %dma_start3A] : memref<2x10240x128xf32, #tpu.memory_space<hbm>> -> memref<1x640x128xf32, #tpu.memory_space<hbm>>
      %dma_start3A_14 = tpu.memref_squeeze %dma_start3A_13 : memref<1x640x128xf32, #tpu.memory_space<hbm>> -> memref<640x128xf32, #tpu.memory_space<hbm>>
      %dma_start3A_15 = arith.constant 0 : i32
      %dma_start3A_16 = tpu.memref_slice %arg10[%mul3A_10, %dma_start3A_15] : memref<10240x128xf32, #tpu.memory_space<vmem_shared>> -> memref<640x128xf32, #tpu.memory_space<vmem_shared>>
      tpu.enqueue_dma source(%dma_start3A_16 : memref<640x128xf32, #tpu.memory_space<vmem_shared>>) target(%dma_start3A_14 : memref<640x128xf32, #tpu.memory_space<hbm>>) target_semaphore(%run_scoped3A : memref<!tpu.dma_semaphore, #tpu.memory_space<semaphore_mem>>)
      %dma_wait3A = arith.constant 0 : i32
      %dma_wait3A_17 = tpu.memref_slice %arg6[%arg0, %mul3A_12, %dma_wait3A] : memref<2x10240x128xf32, #tpu.memory_space<hbm>> -> memref<1x640x128xf32, #tpu.memory_space<hbm>>
      %dma_wait3A_18 = tpu.memref_squeeze %dma_wait3A_17 : memref<1x640x128xf32, #tpu.memory_space<hbm>> -> memref<640x128xf32, #tpu.memory_space<hbm>>
      %dma_wait3A_19 = arith.constant 0 : i32
      %dma_wait3A_20 = tpu.memref_slice %arg10[%mul3A_10, %dma_wait3A_19] : memref<10240x128xf32, #tpu.memory_space<vmem_shared>> -> memref<640x128xf32, #tpu.memory_space<vmem_shared>>
      tpu.wait_dma2 semaphore(%run_scoped3A : memref<!tpu.dma_semaphore, #tpu.memory_space<semaphore_mem>>) src(%dma_wait3A_20 : memref<640x128xf32, #tpu.memory_space<vmem_shared>>) dst(%dma_wait3A_18 : memref<640x128xf32, #tpu.memory_space<hbm>>)
      tpu.yield
    }) : () -> ()
    return
  }
}

module attributes {stable_mosaic.version = 14 : i64} {
  func.func @_mm_body(%arg0: i32, %arg1: memref<5120x256xf32, #tpu.memory_space<vmem>>, %arg2: memref<256x256xf32, #tpu.memory_space<vmem>>, %arg3: memref<5120x1xf32, #tpu.memory_space<vmem>>, %arg4: memref<5120x1xf32, #tpu.memory_space<vmem>>, %arg5: memref<2x5120x128xf32, #tpu.memory_space<vmem>>) attributes {dimension_semantics = [#tpu.dimension_semantics<arbitrary>], iteration_bounds = array<i64: 2>, scalar_prefetch = 0 : i64, scratch_operands = 0 : i64, tpu.core_type = #tpu.core_type<tc>, window_params = [{transform_indices = @transform_0, window_bounds = array<i64: 5120, 256>}, {pipeline_mode = #tpu.pipeline_mode<synchronous>, transform_indices = @transform_1, window_bounds = array<i64: 256, 256>}, {transform_indices = @transform_2, window_bounds = array<i64: 5120, 1>}, {transform_indices = @transform_3, window_bounds = array<i64: 5120, 1>}, {transform_indices = @transform_4, window_bounds = array<i64: 2, 5120, 128>}]} {
    %get3A = arith.constant 0 : index
    %get3A_0 = arith.constant 0 : index
    %get3A_1 = vector.load %arg1[%get3A, %get3A_0] : memref<5120x256xf32, #tpu.memory_space<vmem>>, vector<5120x256xf32>
    %get3A_2 = arith.constant 0 : index
    %get3A_3 = arith.constant 0 : index
    %get3A_4 = vector.load %arg3[%get3A_2, %get3A_3] : memref<5120x1xf32, #tpu.memory_space<vmem>>, vector<5120x1xf32>
    %get3A_5 = arith.constant 0 : index
    %get3A_6 = arith.constant 0 : index
    %get3A_7 = vector.load %arg4[%get3A_5, %get3A_6] : memref<5120x1xf32, #tpu.memory_space<vmem>>, vector<5120x1xf32>
    %add3A = arith.addf %get3A_4, %get3A_7 : vector<5120x1xf32>
    %add3A_8 = arith.constant 1.000000e+00 : f32
    %add3A_9 = vector.broadcast %add3A_8 : f32 to vector<5120x1xf32>
    %add3A_10 = arith.addf %add3A, %add3A_9 : vector<5120x1xf32>
    %rsqrt3A = math.rsqrt %add3A_10 : vector<5120x1xf32>
    %mul3A = vector.broadcast %rsqrt3A : vector<5120x1xf32> to vector<5120x256xf32>
    %mul3A_11 = arith.mulf %get3A_1, %mul3A : vector<5120x256xf32>
    %get3A_12 = arith.constant 0 : index
    %get3A_13 = arith.constant 0 : index
    %get3A_14 = vector.load %arg2[%get3A_12, %get3A_13] : memref<256x256xf32, #tpu.memory_space<vmem>>, vector<256x256xf32>
    %dot_general3A = arith.constant dense<0.000000e+00> : vector<5120x256xf32>
    %dot_general3A_15 = tpu.matmul %mul3A_11, %get3A_14, %dot_general3A {dimension_numbers = #tpu.dot_dimension_numbers<[1], [0], [0], [1], [0, 0, 1, 1], [], []>, transpose_lhs_hint = false} : vector<5120x256xf32>, vector<256x256xf32>, vector<5120x256xf32> -> vector<5120x256xf32>
    %slice3A = vector.extract_strided_slice %dot_general3A_15 {offsets = [0, 0], sizes = [5120, 128], strides = [1, 1]} : vector<5120x256xf32> to vector<5120x128xf32>
    %swap3A = arith.constant 0 : index
    %swap3A_16 = arith.constant 0 : index
    %swap3A_17 = arith.constant 0 : index
    %swap3A_18 = vector.load %arg5[%swap3A, %swap3A_16, %swap3A_17] : memref<2x5120x128xf32, #tpu.memory_space<vmem>>, vector<1x5120x128xf32>
    %swap3A_19 = vector.shape_cast %swap3A_18 : vector<1x5120x128xf32> to vector<5120x128xf32>
    %swap3A_20 = vector.shape_cast %slice3A : vector<5120x128xf32> to vector<1x5120x128xf32>
    tpu.vector_store %arg5[%swap3A, %swap3A_16, %swap3A_17], %swap3A_20 {strides = array<i32>} : memref<2x5120x128xf32, #tpu.memory_space<vmem>>, vector<1x5120x128xf32>,
    %slice3A_21 = vector.extract_strided_slice %dot_general3A_15 {offsets = [0, 128], sizes = [5120, 128], strides = [1, 1]} : vector<5120x256xf32> to vector<5120x128xf32>
    %swap3A_22 = arith.constant 1 : index
    %swap3A_23 = arith.constant 0 : index
    %swap3A_24 = arith.constant 0 : index
    %swap3A_25 = vector.load %arg5[%swap3A_22, %swap3A_23, %swap3A_24] : memref<2x5120x128xf32, #tpu.memory_space<vmem>>, vector<1x5120x128xf32>
    %swap3A_26 = vector.shape_cast %swap3A_25 : vector<1x5120x128xf32> to vector<5120x128xf32>
    %swap3A_27 = vector.shape_cast %slice3A_21 : vector<5120x128xf32> to vector<1x5120x128xf32>
    tpu.vector_store %arg5[%swap3A_22, %swap3A_23, %swap3A_24], %swap3A_27 {strides = array<i32>} : memref<2x5120x128xf32, #tpu.memory_space<vmem>>, vector<1x5120x128xf32>,
    return
  }
  func.func @transform_0(%arg0: i32) -> (i32, i32) {
    %c0_i32 = arith.constant 0 : i32
    %c0_i32_0 = arith.constant 0 : i32
    return %arg0, %c0_i32 : i32, i32
  }
  func.func @transform_1(%arg0: i32) -> (i32, i32) {
    %c0_i32 = arith.constant 0 : i32
    %c0_i32_0 = arith.constant 0 : i32
    %c0_i32_1 = arith.constant 0 : i32
    return %c0_i32, %c0_i32_0 : i32, i32
  }
  func.func @transform_2(%arg0: i32) -> (i32, i32) {
    %c0_i32 = arith.constant 0 : i32
    %c0_i32_0 = arith.constant 0 : i32
    return %arg0, %c0_i32 : i32, i32
  }
  func.func @transform_3(%arg0: i32) -> (i32, i32) {
    %c0_i32 = arith.constant 0 : i32
    %c0_i32_0 = arith.constant 0 : i32
    return %arg0, %c0_i32 : i32, i32
  }
  func.func @transform_4(%arg0: i32) -> (i32, i32, i32) {
    %c0_i32 = arith.constant 0 : i32
    %c0_i32_0 = arith.constant 0 : i32
    %c0_i32_1 = arith.constant 0 : i32
    return %c0_i32, %arg0, %c0_i32_0 : i32, i32, i32
  }
}

module attributes {stable_mosaic.version = 14 : i64} {
  func.func @_mid_body(%arg0: i32, %arg1: memref<2x5120x128xf32, #tpu.memory_space<vmem>>, %arg2: memref<2x5120x128xf32, #tpu.memory_space<vmem>>, %arg3: memref<5120x1xf32, #tpu.memory_space<vmem>>, %arg4: memref<5120x1xf32, #tpu.memory_space<vmem>>, %arg5: memref<1x256xf32, #tpu.memory_space<vmem>>, %arg6: memref<256x256xf32, #tpu.memory_space<vmem>>, %arg7: memref<2x5120x128xf32, #tpu.memory_space<vmem>>) attributes {dimension_semantics = [#tpu.dimension_semantics<arbitrary>], iteration_bounds = array<i64: 2>, scalar_prefetch = 0 : i64, scratch_operands = 0 : i64, tpu.core_type = #tpu.core_type<tc>, window_params = [{transform_indices = @transform_0, window_bounds = array<i64: 2, 5120, 128>}, {transform_indices = @transform_1, window_bounds = array<i64: 2, 5120, 128>}, {transform_indices = @transform_2, window_bounds = array<i64: 5120, 1>}, {transform_indices = @transform_3, window_bounds = array<i64: 5120, 1>}, {pipeline_mode = #tpu.pipeline_mode<synchronous>, transform_indices = @transform_4, window_bounds = array<i64: 1, 256>}, {pipeline_mode = #tpu.pipeline_mode<synchronous>, transform_indices = @transform_5, window_bounds = array<i64: 256, 256>}, {transform_indices = @transform_6, window_bounds = array<i64: 2, 5120, 128>}]} {
    %get3A = arith.constant 0 : index
    %get3A_0 = arith.constant 0 : index
    %get3A_1 = vector.load %arg3[%get3A, %get3A_0] : memref<5120x1xf32, #tpu.memory_space<vmem>>, vector<5120x1xf32>
    %get3A_2 = arith.constant 0 : index
    %get3A_3 = arith.constant 0 : index
    %get3A_4 = vector.load %arg4[%get3A_2, %get3A_3] : memref<5120x1xf32, #tpu.memory_space<vmem>>, vector<5120x1xf32>
    %add3A = arith.addf %get3A_1, %get3A_4 : vector<5120x1xf32>
    %add3A_5 = arith.constant 1.000000e+00 : f32
    %add3A_6 = vector.broadcast %add3A_5 : f32 to vector<5120x1xf32>
    %add3A_7 = arith.addf %add3A, %add3A_6 : vector<5120x1xf32>
    %rsqrt3A = math.rsqrt %add3A_7 : vector<5120x1xf32>
    %get3A_8 = arith.constant 0 : index
    %get3A_9 = arith.constant 0 : index
    %get3A_10 = arith.constant 0 : index
    %get3A_11 = vector.load %arg1[%get3A_8, %get3A_9, %get3A_10] : memref<2x5120x128xf32, #tpu.memory_space<vmem>>, vector<1x5120x128xf32>
    %get3A_12 = vector.shape_cast %get3A_11 : vector<1x5120x128xf32> to vector<5120x128xf32>
    %get3A_13 = arith.constant 0 : index
    %get3A_14 = arith.constant 0 : index
    %get3A_15 = arith.constant 0 : index
    %get3A_16 = vector.load %arg2[%get3A_13, %get3A_14, %get3A_15] : memref<2x5120x128xf32, #tpu.memory_space<vmem>>, vector<1x5120x128xf32>
    %get3A_17 = vector.shape_cast %get3A_16 : vector<1x5120x128xf32> to vector<5120x128xf32>
    %add3A_18 = arith.addf %get3A_12, %get3A_17 : vector<5120x128xf32>
    %mul3A = vector.broadcast %rsqrt3A : vector<5120x1xf32> to vector<5120x128xf32>
    %mul3A_19 = arith.mulf %mul3A, %add3A_18 : vector<5120x128xf32>
    %get3A_20 = arith.constant 0 : index
    %get3A_21 = arith.constant 0 : index
    %get3A_22 = vector.load %arg5[%get3A_20, %get3A_21] : memref<1x256xf32, #tpu.memory_space<vmem>>, vector<1x128xf32>
    %add3A_23 = vector.broadcast %get3A_22 : vector<1x128xf32> to vector<5120x128xf32>
    %add3A_24 = arith.addf %mul3A_19, %add3A_23 : vector<5120x128xf32>
    %ge3A = arith.constant 0.000000e+00 : f32
    %ge3A_25 = vector.broadcast %ge3A : f32 to vector<5120x128xf32>
    %ge3A_26 = arith.cmpf oge, %add3A_24, %ge3A_25 : vector<5120x128xf32>
    %mul3A_27 = arith.constant 0.00999999977 : f32
    %mul3A_28 = vector.broadcast %mul3A_27 : f32 to vector<5120x128xf32>
    %mul3A_29 = arith.mulf %mul3A_28, %add3A_24 : vector<5120x128xf32>
    %select_n3A = arith.select %ge3A_26, %add3A_24, %mul3A_29 : vector<5120x128xi1>, vector<5120x128xf32>
    %get3A_30 = arith.constant 1 : index
    %get3A_31 = arith.constant 0 : index
    %get3A_32 = arith.constant 0 : index
    %get3A_33 = vector.load %arg1[%get3A_30, %get3A_31, %get3A_32] : memref<2x5120x128xf32, #tpu.memory_space<vmem>>, vector<1x5120x128xf32>
    %get3A_34 = vector.shape_cast %get3A_33 : vector<1x5120x128xf32> to vector<5120x128xf32>
    %get3A_35 = arith.constant 1 : index
    %get3A_36 = arith.constant 0 : index
    %get3A_37 = arith.constant 0 : index
    %get3A_38 = vector.load %arg2[%get3A_35, %get3A_36, %get3A_37] : memref<2x5120x128xf32, #tpu.memory_space<vmem>>, vector<1x5120x128xf32>
    %get3A_39 = vector.shape_cast %get3A_38 : vector<1x5120x128xf32> to vector<5120x128xf32>
    %add3A_40 = arith.addf %get3A_34, %get3A_39 : vector<5120x128xf32>
    %mul3A_41 = vector.broadcast %rsqrt3A : vector<5120x1xf32> to vector<5120x128xf32>
    %mul3A_42 = arith.mulf %mul3A_41, %add3A_40 : vector<5120x128xf32>
    %get3A_43 = arith.constant 0 : index
    %get3A_44 = arith.constant 128 : index
    %get3A_45 = vector.load %arg5[%get3A_43, %get3A_44] : memref<1x256xf32, #tpu.memory_space<vmem>>, vector<1x128xf32>
    %add3A_46 = vector.broadcast %get3A_45 : vector<1x128xf32> to vector<5120x128xf32>
    %add3A_47 = arith.addf %mul3A_42, %add3A_46 : vector<5120x128xf32>
    %ge3A_48 = arith.constant 0.000000e+00 : f32
    %ge3A_49 = vector.broadcast %ge3A_48 : f32 to vector<5120x128xf32>
    %ge3A_50 = arith.cmpf oge, %add3A_47, %ge3A_49 : vector<5120x128xf32>
    %mul3A_51 = arith.constant 0.00999999977 : f32
    %mul3A_52 = vector.broadcast %mul3A_51 : f32 to vector<5120x128xf32>
    %mul3A_53 = arith.mulf %mul3A_52, %add3A_47 : vector<5120x128xf32>
    %select_n3A_54 = arith.select %ge3A_50, %add3A_47, %mul3A_53 : vector<5120x128xi1>, vector<5120x128xf32>
    %mul3A_55 = vector.broadcast %rsqrt3A : vector<5120x1xf32> to vector<5120x128xf32>
    %mul3A_56 = arith.mulf %mul3A_55, %select_n3A : vector<5120x128xf32>
    %get3A_57 = arith.constant 0 : index
    %get3A_58 = arith.constant 0 : index
    %get3A_59 = vector.load %arg6[%get3A_57, %get3A_58] : memref<256x256xf32, #tpu.memory_space<vmem>>, vector<128x256xf32>
    %dot_general3A = arith.constant dense<0.000000e+00> : vector<5120x256xf32>
    %dot_general3A_60 = tpu.matmul %mul3A_56, %get3A_59, %dot_general3A {dimension_numbers = #tpu.dot_dimension_numbers<[1], [0], [0], [1], [0, 0, 1, 1], [], []>, transpose_lhs_hint = false} : vector<5120x128xf32>, vector<128x256xf32>, vector<5120x256xf32> -> vector<5120x256xf32>
    %mul3A_61 = vector.broadcast %rsqrt3A : vector<5120x1xf32> to vector<5120x128xf32>
    %mul3A_62 = arith.mulf %mul3A_61, %select_n3A_54 : vector<5120x128xf32>
    %get3A_63 = arith.constant 128 : index
    %get3A_64 = arith.constant 0 : index
    %get3A_65 = vector.load %arg6[%get3A_63, %get3A_64] : memref<256x256xf32, #tpu.memory_space<vmem>>, vector<128x256xf32>
    %dot_general3A_66 = arith.constant dense<0.000000e+00> : vector<5120x256xf32>
    %dot_general3A_67 = tpu.matmul %mul3A_62, %get3A_65, %dot_general3A_66 {dimension_numbers = #tpu.dot_dimension_numbers<[1], [0], [0], [1], [0, 0, 1, 1], [], []>, transpose_lhs_hint = false} : vector<5120x128xf32>, vector<128x256xf32>, vector<5120x256xf32> -> vector<5120x256xf32>
    %add3A_68 = arith.addf %dot_general3A_60, %dot_general3A_67 : vector<5120x256xf32>
    %slice3A = vector.extract_strided_slice %add3A_68 {offsets = [0, 0], sizes = [5120, 128], strides = [1, 1]} : vector<5120x256xf32> to vector<5120x128xf32>
    %swap3A = arith.constant 0 : index
    %swap3A_69 = arith.constant 0 : index
    %swap3A_70 = arith.constant 0 : index
    %swap3A_71 = vector.load %arg7[%swap3A, %swap3A_69, %swap3A_70] : memref<2x5120x128xf32, #tpu.memory_space<vmem>>, vector<1x5120x128xf32>
    %swap3A_72 = vector.shape_cast %swap3A_71 : vector<1x5120x128xf32> to vector<5120x128xf32>
    %swap3A_73 = vector.shape_cast %slice3A : vector<5120x128xf32> to vector<1x5120x128xf32>
    tpu.vector_store %arg7[%swap3A, %swap3A_69, %swap3A_70], %swap3A_73 {strides = array<i32>} : memref<2x5120x128xf32, #tpu.memory_space<vmem>>, vector<1x5120x128xf32>,
    %slice3A_74 = vector.extract_strided_slice %add3A_68 {offsets = [0, 128], sizes = [5120, 128], strides = [1, 1]} : vector<5120x256xf32> to vector<5120x128xf32>
    %swap3A_75 = arith.constant 1 : index
    %swap3A_76 = arith.constant 0 : index
    %swap3A_77 = arith.constant 0 : index
    %swap3A_78 = vector.load %arg7[%swap3A_75, %swap3A_76, %swap3A_77] : memref<2x5120x128xf32, #tpu.memory_space<vmem>>, vector<1x5120x128xf32>
    %swap3A_79 = vector.shape_cast %swap3A_78 : vector<1x5120x128xf32> to vector<5120x128xf32>
    %swap3A_80 = vector.shape_cast %slice3A_74 : vector<5120x128xf32> to vector<1x5120x128xf32>
    tpu.vector_store %arg7[%swap3A_75, %swap3A_76, %swap3A_77], %swap3A_80 {strides = array<i32>} : memref<2x5120x128xf32, #tpu.memory_space<vmem>>, vector<1x5120x128xf32>,
    return
  }
  func.func @transform_0(%arg0: i32) -> (i32, i32, i32) {
    %c0_i32 = arith.constant 0 : i32
    %c0_i32_0 = arith.constant 0 : i32
    %c0_i32_1 = arith.constant 0 : i32
    return %c0_i32, %arg0, %c0_i32_0 : i32, i32, i32
  }
  func.func @transform_1(%arg0: i32) -> (i32, i32, i32) {
    %c0_i32 = arith.constant 0 : i32
    %c0_i32_0 = arith.constant 0 : i32
    %c0_i32_1 = arith.constant 0 : i32
    return %c0_i32, %arg0, %c0_i32_0 : i32, i32, i32
  }
  func.func @transform_2(%arg0: i32) -> (i32, i32) {
    %c0_i32 = arith.constant 0 : i32
    %c0_i32_0 = arith.constant 0 : i32
    return %arg0, %c0_i32 : i32, i32
  }
  func.func @transform_3(%arg0: i32) -> (i32, i32) {
    %c0_i32 = arith.constant 0 : i32
    %c0_i32_0 = arith.constant 0 : i32
    return %arg0, %c0_i32 : i32, i32
  }
  func.func @transform_4(%arg0: i32) -> (i32, i32) {
    %c0_i32 = arith.constant 0 : i32
    %c0_i32_0 = arith.constant 0 : i32
    %c0_i32_1 = arith.constant 0 : i32
    return %c0_i32, %c0_i32_0 : i32, i32
  }
  func.func @transform_5(%arg0: i32) -> (i32, i32) {
    %c0_i32 = arith.constant 0 : i32
    %c0_i32_0 = arith.constant 0 : i32
    %c0_i32_1 = arith.constant 0 : i32
    return %c0_i32, %c0_i32_0 : i32, i32
  }
  func.func @transform_6(%arg0: i32) -> (i32, i32, i32) {
    %c0_i32 = arith.constant 0 : i32
    %c0_i32_0 = arith.constant 0 : i32
    %c0_i32_1 = arith.constant 0 : i32
    return %c0_i32, %arg0, %c0_i32_0 : i32, i32, i32
  }
}

module attributes {stable_mosaic.version = 14 : i64} {
  func.func @_fin_body(%arg0: i32, %arg1: memref<2x5120x128xf32, #tpu.memory_space<vmem>>, %arg2: memref<2x5120x128xf32, #tpu.memory_space<vmem>>, %arg3: memref<5120x1xf32, #tpu.memory_space<vmem>>, %arg4: memref<5120x1xf32, #tpu.memory_space<vmem>>, %arg5: memref<1x256xf32, #tpu.memory_space<vmem>>, %arg6: memref<5120x256xf32, #tpu.memory_space<vmem>>) attributes {dimension_semantics = [#tpu.dimension_semantics<arbitrary>], iteration_bounds = array<i64: 2>, scalar_prefetch = 0 : i64, scratch_operands = 0 : i64, tpu.core_type = #tpu.core_type<tc>, window_params = [{transform_indices = @transform_0, window_bounds = array<i64: 2, 5120, 128>}, {transform_indices = @transform_1, window_bounds = array<i64: 2, 5120, 128>}, {transform_indices = @transform_2, window_bounds = array<i64: 5120, 1>}, {transform_indices = @transform_3, window_bounds = array<i64: 5120, 1>}, {pipeline_mode = #tpu.pipeline_mode<synchronous>, transform_indices = @transform_4, window_bounds = array<i64: 1, 256>}, {transform_indices = @transform_5, window_bounds = array<i64: 5120, 256>}]} {
    %get3A = arith.constant 0 : index
    %get3A_0 = arith.constant 0 : index
    %get3A_1 = vector.load %arg3[%get3A, %get3A_0] : memref<5120x1xf32, #tpu.memory_space<vmem>>, vector<5120x1xf32>
    %get3A_2 = arith.constant 0 : index
    %get3A_3 = arith.constant 0 : index
    %get3A_4 = vector.load %arg4[%get3A_2, %get3A_3] : memref<5120x1xf32, #tpu.memory_space<vmem>>, vector<5120x1xf32>
    %add3A = arith.addf %get3A_1, %get3A_4 : vector<5120x1xf32>
    %add3A_5 = arith.constant 1.000000e+00 : f32
    %add3A_6 = vector.broadcast %add3A_5 : f32 to vector<5120x1xf32>
    %add3A_7 = arith.addf %add3A, %add3A_6 : vector<5120x1xf32>
    %rsqrt3A = math.rsqrt %add3A_7 : vector<5120x1xf32>
    %get3A_8 = arith.constant 0 : index
    %get3A_9 = arith.constant 0 : index
    %get3A_10 = arith.constant 0 : index
    %get3A_11 = vector.load %arg1[%get3A_8, %get3A_9, %get3A_10] : memref<2x5120x128xf32, #tpu.memory_space<vmem>>, vector<1x5120x128xf32>
    %get3A_12 = vector.shape_cast %get3A_11 : vector<1x5120x128xf32> to vector<5120x128xf32>
    %get3A_13 = arith.constant 0 : index
    %get3A_14 = arith.constant 0 : index
    %get3A_15 = arith.constant 0 : index
    %get3A_16 = vector.load %arg2[%get3A_13, %get3A_14, %get3A_15] : memref<2x5120x128xf32, #tpu.memory_space<vmem>>, vector<1x5120x128xf32>
    %get3A_17 = vector.shape_cast %get3A_16 : vector<1x5120x128xf32> to vector<5120x128xf32>
    %add3A_18 = arith.addf %get3A_12, %get3A_17 : vector<5120x128xf32>
    %mul3A = vector.broadcast %rsqrt3A : vector<5120x1xf32> to vector<5120x128xf32>
    %mul3A_19 = arith.mulf %mul3A, %add3A_18 : vector<5120x128xf32>
    %get3A_20 = arith.constant 0 : index
    %get3A_21 = arith.constant 0 : index
    %get3A_22 = vector.load %arg5[%get3A_20, %get3A_21] : memref<1x256xf32, #tpu.memory_space<vmem>>, vector<1x128xf32>
    %add3A_23 = vector.broadcast %get3A_22 : vector<1x128xf32> to vector<5120x128xf32>
    %add3A_24 = arith.addf %mul3A_19, %add3A_23 : vector<5120x128xf32>
    %ge3A = arith.constant 0.000000e+00 : f32
    %ge3A_25 = vector.broadcast %ge3A : f32 to vector<5120x128xf32>
    %ge3A_26 = arith.cmpf oge, %add3A_24, %ge3A_25 : vector<5120x128xf32>
    %mul3A_27 = arith.constant 0.00999999977 : f32
    %mul3A_28 = vector.broadcast %mul3A_27 : f32 to vector<5120x128xf32>
    %mul3A_29 = arith.mulf %mul3A_28, %add3A_24 : vector<5120x128xf32>
    %select_n3A = arith.select %ge3A_26, %add3A_24, %mul3A_29 : vector<5120x128xi1>, vector<5120x128xf32>
    %swap3A = arith.constant 0 : index
    %swap3A_30 = arith.constant 0 : index
    %swap3A_31 = vector.load %arg6[%swap3A, %swap3A_30] : memref<5120x256xf32, #tpu.memory_space<vmem>>, vector<5120x128xf32>
    tpu.vector_store %arg6[%swap3A, %swap3A_30], %select_n3A {strides = array<i32>} : memref<5120x256xf32, #tpu.memory_space<vmem>>, vector<5120x128xf32>,
    %get3A_32 = arith.constant 1 : index
    %get3A_33 = arith.constant 0 : index
    %get3A_34 = arith.constant 0 : index
    %get3A_35 = vector.load %arg1[%get3A_32, %get3A_33, %get3A_34] : memref<2x5120x128xf32, #tpu.memory_space<vmem>>, vector<1x5120x128xf32>
    %get3A_36 = vector.shape_cast %get3A_35 : vector<1x5120x128xf32> to vector<5120x128xf32>
    %get3A_37 = arith.constant 1 : index
    %get3A_38 = arith.constant 0 : index
    %get3A_39 = arith.constant 0 : index
    %get3A_40 = vector.load %arg2[%get3A_37, %get3A_38, %get3A_39] : memref<2x5120x128xf32, #tpu.memory_space<vmem>>, vector<1x5120x128xf32>
    %get3A_41 = vector.shape_cast %get3A_40 : vector<1x5120x128xf32> to vector<5120x128xf32>
    %add3A_42 = arith.addf %get3A_36, %get3A_41 : vector<5120x128xf32>
    %mul3A_43 = vector.broadcast %rsqrt3A : vector<5120x1xf32> to vector<5120x128xf32>
    %mul3A_44 = arith.mulf %mul3A_43, %add3A_42 : vector<5120x128xf32>
    %get3A_45 = arith.constant 0 : index
    %get3A_46 = arith.constant 128 : index
    %get3A_47 = vector.load %arg5[%get3A_45, %get3A_46] : memref<1x256xf32, #tpu.memory_space<vmem>>, vector<1x128xf32>
    %add3A_48 = vector.broadcast %get3A_47 : vector<1x128xf32> to vector<5120x128xf32>
    %add3A_49 = arith.addf %mul3A_44, %add3A_48 : vector<5120x128xf32>
    %ge3A_50 = arith.constant 0.000000e+00 : f32
    %ge3A_51 = vector.broadcast %ge3A_50 : f32 to vector<5120x128xf32>
    %ge3A_52 = arith.cmpf oge, %add3A_49, %ge3A_51 : vector<5120x128xf32>
    %mul3A_53 = arith.constant 0.00999999977 : f32
    %mul3A_54 = vector.broadcast %mul3A_53 : f32 to vector<5120x128xf32>
    %mul3A_55 = arith.mulf %mul3A_54, %add3A_49 : vector<5120x128xf32>
    %select_n3A_56 = arith.select %ge3A_52, %add3A_49, %mul3A_55 : vector<5120x128xi1>, vector<5120x128xf32>
    %swap3A_57 = arith.constant 0 : index
    %swap3A_58 = arith.constant 128 : index
    %swap3A_59 = vector.load %arg6[%swap3A_57, %swap3A_58] : memref<5120x256xf32, #tpu.memory_space<vmem>>, vector<5120x128xf32>
    tpu.vector_store %arg6[%swap3A_57, %swap3A_58], %select_n3A_56 {strides = array<i32>} : memref<5120x256xf32, #tpu.memory_space<vmem>>, vector<5120x128xf32>,
    return
  }
  func.func @transform_0(%arg0: i32) -> (i32, i32, i32) {
    %c0_i32 = arith.constant 0 : i32
    %c0_i32_0 = arith.constant 0 : i32
    %c0_i32_1 = arith.constant 0 : i32
    return %c0_i32, %arg0, %c0_i32_0 : i32, i32, i32
  }
  func.func @transform_1(%arg0: i32) -> (i32, i32, i32) {
    %c0_i32 = arith.constant 0 : i32
    %c0_i32_0 = arith.constant 0 : i32
    %c0_i32_1 = arith.constant 0 : i32
    return %c0_i32, %arg0, %c0_i32_0 : i32, i32, i32
  }
  func.func @transform_2(%arg0: i32) -> (i32, i32) {
    %c0_i32 = arith.constant 0 : i32
    %c0_i32_0 = arith.constant 0 : i32
    return %arg0, %c0_i32 : i32, i32
  }
  func.func @transform_3(%arg0: i32) -> (i32, i32) {
    %c0_i32 = arith.constant 0 : i32
    %c0_i32_0 = arith.constant 0 : i32
    return %arg0, %c0_i32 : i32, i32
  }
  func.func @transform_4(%arg0: i32) -> (i32, i32) {
    %c0_i32 = arith.constant 0 : i32
    %c0_i32_0 = arith.constant 0 : i32
    %c0_i32_1 = arith.constant 0 : i32
    return %c0_i32, %c0_i32_0 : i32, i32
  }
  func.func @transform_5(%arg0: i32) -> (i32, i32) {
    %c0_i32 = arith.constant 0 : i32
    %c0_i32_0 = arith.constant 0 : i32
    return %arg0, %c0_i32 : i32, i32
  }
}

</mosaic_0001>

<sc_bundles>
// kernel: kernel.11.cloned.1.call-start
scs
__scs_entry_jumppad:
0x0: {  	(pc) =	sbr.rel $0x88, $3  }
0x1: {  	(tag) =	ssettag $0x0;
	lr =	simm.s32 $0x1  }
0x2: {  	[smem:$0x3F9B] =	sst lr;
	_ =	strace $0xD0000000  }
0x3: {  	_ = 	snop  }
0x4: {  	_ = 	snop  }
0x5: {  	_ = 	snop  }
0x6: {  	_ = 	snop  }
0x7: {  	_ = 	snop  }
__scs_overlays_trampoline_lowered:
0x8: {  	[smem:$0x3FAA] =	sst s0  }
0x9: {  	[smem:$0x3FAB] =	sst s1  }
0xa: {  	[smem:$0x3FAC] =	sst s2  }
0xb: {  	[smem:$0x3FAD] =	sst s3  }
0xc: {  	[smem:$0x3FAE] =	sst s4  }
0xd: {  	[smem:$0x3FAF] =	sst s5  }
0xe: {  	[smem:$0x3FB0] =	sst s6  }
0xf: {  	[smem:$0x3FB1] =	sst s7  }
0x10: {  	[smem:$0x3FB2] =	sst s8  }
0x11: {  	[smem:$0x3FB3] =	sst s9;
	s0 =	simm.s32 @!p0 $0x0  }
0x12: {  	s1 =	sld [smem:$0x3F99];
	s0 =	simm.s32 @p0 $0x1  }
0x13: {  	[smem:$0x3FB4] =	sst s0;
	s0 =	simm.s32 @!p1 $0x0  }
0x14: {  	s2 =	sld [smem:$0x3F98];
	s0 =	simm.s32 @p1 $0x1  }
0x15: {  	[smem:$0x3FB5] =	sst s0;
	s0 =	simm.s32 @!p2 $0x0  }
0x16: {  	s3 =	sld [smem:$0x3FDB];
	s0 =	simm.s32 @p2 $0x1  }
0x17: {  	s4 =	simm.s32 $0x1BF5;
	[smem:$0x3FB7] =	sst s0  }
0x18: {  	s0 =	sld [smem:$0x3F9A];
	_ =	swait.ge [sflag:s4], $0x0  }
0x19: {  	s7 =	sld [smem:$0x3F9B]  }
0x1a: {  	s8 =	sadd.s32 $0xFFFFE003, lr  }
0x1b: {  	s9 =	sadd.s32 $0xFFFFFEF7, lr;
	s5 =	simm.s32 $0xFFFFFFFF;
	p2 =	slt.u32 s8, $0xFFFFF086  }
0x1c: {  	p1 =	slt.u32 s9, $0xF7A;
	s5 =	simm.s32 @!p2 $0x0  }
0x1d: {  	s5 =	simm.s32 @p1 $0x1;
	p0 =	seq.s32 s7, s2  }
0x1e: {  	s7 =	smul.u32 @!p0 $0xF7A, s2;
	p2 =	seq.s32 @!p0 s5, $0x0  }
0x1f: {  	s9 =	smul.u32 $0xF7A, s1;
	s8 =	simm.s32 @!p0 $0x1BF5;
	p2 =	por !p2, p0  }
0x20: {  	[sflag:s8] =	ssyncset.s32 @!p0 $0xFFFFF086;
	s6 =	sadd.s32 @!p0 s3, s7;
	s7 =	simm.s32 @!p0 $0x108  }
0x21: {  	s3 =	sadd.s32 s3, s9;
	s6 =	sadd.s32 @!p0 $0x88, s6;
	s7 =	simm.s32 @p2 $0x1082  }
0x22: {  	[simem:s7], [sflag:s8] =	dma.local @!p0 [hbm:s6], $0xF7A  }
0x23: {  	s9 =	sor.u32 $0xD0000000, s2;
	s6 =	simm.s32 $0x108;
	_ =	swait.ge @!p0 [sflag:s8], $0x0  }
0x24: {  	s3 =	sadd.s32 $0x88, s3;
	s6 =	simm.s32 @!p1 $0x1082;
	[sflag:s4] =	ssyncset.s32 $0xFFFFF086  }
0x25: {  	[simem:s6], [sflag:s4] =	dma.local [hbm:s3], $0xF7A  }
0x26: {  	[smem:$0x3F9B] =	sst s1;
	(tag) =	ssettag s2;
	_ =	strace s9  }
0x27: {  	s1 =	sld [smem:$0x3FAB]  }
0x28: {  	s2 =	sld [smem:$0x3FAC]  }
0x29: {  	s4 =	sld [smem:$0x3FAE]  }
0x2a: {  	p0 =	seq.s32 s5, $0x0;
	s5 =	sld [smem:$0x3FAF]  }
0x2b: {  	s6 =	sld [smem:$0x3FB0]  }
0x2c: {  	s7 =	sld [smem:$0x3FB1]  }
0x2d: {  	s3 =	simm.s32 $0x108;
	s8 =	sld [smem:$0x3FB2]  }
0x2e: {  	s3 =	simm.s32 @!p0 $0x1082;
	s9 =	sld [smem:$0x3FB3]  }
0x2f: {  	lr =	sadd.s32 s0, s3;
	s0 =	sld [smem:$0x3FAA]  }
0x30: {  	s3 =	sld [smem:$0x3FAD]  }
0x31: {  	[smem:$0x3FB6] =	sst s10  }
0x32: {  	s10 =	sld [smem:$0x3FB4];
	_ =	sdelay $0x3  }
0x33: {  	p0 =	seq.s32 s10, $0x1;
	s10 =	sld [smem:$0x3FB6];
	_ =	sdelay $0x3  }
0x34: {  	[smem:$0x3FB6] =	sst s10  }
0x35: {  	s10 =	sld [smem:$0x3FB5];
	_ =	sdelay $0x3  }
0x36: {  	p1 =	seq.s32 s10, $0x1;
	s10 =	sld [smem:$0x3FB6];
	_ =	sdelay $0x3  }
0x37: {  	[smem:$0x3FB6] =	sst s10  }
0x38: {  	s10 =	sld [smem:$0x3FB7]  }
0x39: {  	_ = 	snop;
	(pc) =	sbr.ind lr, $3  }
0x3a: {  	_ = 	snop  }
0x3b: {  	_ = 	snop  }
0x3c: {  	p2 =	seq.s32 s10, $0x1;
	s10 =	sld [smem:$0x3FB6]  }
0x3d: {  	_ =	shalt  }
0x3e: {  	_ =	shalt  }
0x3f: {  	_ =	shalt  }
0x40: {  	_ =	shalt  }
0x41: {  	_ =	shalt  }
0x42: {  	_ =	shalt  }
0x43: {  	_ =	shalt  }
0x44: {  	_ =	shalt  }
0x45: {  	_ =	shalt  }
0x46: {  	_ =	shalt  }
0x47: {  	_ =	shalt  }
0x48: {  	_ =	shalt  }
0x49: {  	_ =	shalt  }
0x4a: {  	_ =	shalt  }
0x4b: {  	_ =	shalt  }
0x4c: {  	_ =	shalt  }
0x4d: {  	_ =	shalt  }
0x4e: {  	_ =	shalt  }
0x4f: {  	_ =	shalt  }
0x50: {  	_ =	shalt  }
0x51: {  	_ =	shalt  }
0x52: {  	_ =	shalt  }
0x53: {  	_ =	shalt  }
0x54: {  	_ =	shalt  }
0x55: {  	_ =	shalt  }
0x56: {  	_ =	shalt  }
0x57: {  	_ =	shalt  }
0x58: {  	_ =	shalt  }
0x59: {  	_ =	shalt  }
0x5a: {  	_ =	shalt  }
0x5b: {  	_ =	shalt  }
0x5c: {  	_ =	shalt  }
0x5d: {  	_ =	shalt  }
0x5e: {  	_ =	shalt  }
0x5f: {  	_ =	shalt  }
0x60: {  	_ =	shalt  }
0x61: {  	_ =	shalt  }
0x62: {  	_ =	shalt  }
0x63: {  	_ =	shalt  }
0x64: {  	_ =	shalt  }
0x65: {  	_ =	shalt  }
0x66: {  	_ =	shalt  }
0x67: {  	_ =	shalt  }
0x68: {  	_ =	shalt  }
0x69: {  	_ =	shalt  }
0x6a: {  	_ =	shalt  }
0x6b: {  	_ =	shalt  }
0x6c: {  	_ =	shalt  }
0x6d: {  	_ =	shalt  }
0x6e: {  	_ =	shalt  }
0x6f: {  	_ =	shalt  }
0x70: {  	_ =	shalt  }
0x71: {  	_ =	shalt  }
0x72: {  	_ =	shalt  }
0x73: {  	_ =	shalt  }
0x74: {  	_ =	shalt  }
0x75: {  	_ =	shalt  }
0x76: {  	_ =	shalt  }
0x77: {  	_ =	shalt  }
0x78: {  	_ =	shalt  }
0x79: {  	_ =	shalt  }
0x7a: {  	_ =	shalt  }
0x7b: {  	_ =	shalt  }
0x7c: {  	_ =	shalt  }
0x7d: {  	_ =	shalt  }
0x7e: {  	_ =	shalt  }
0x7f: {  	_ =	shalt  }
0x80: {  	_ =	shalt  }
0x81: {  	_ =	shalt  }
0x82: {  	_ =	shalt  }
0x83: {  	_ =	shalt  }
0x84: {  	_ =	shalt  }
0x85: {  	_ =	shalt  }
0x86: {  	_ =	shalt  }
0x87: {  	_ =	shalt  }
.Lfunc_end0:
.L_simem_size_0:
called_computation.1_lowered:
.L_overlay_start_0:
0x88: {  	s2 =	sld [smem:$0x3FD9]  }
0x89: {  	s3 =	sld [smem:$0x3FFE];
	_ =	sdelay $0x1  }
0x8a: {  	s1 =	srdreg.scid  }
0x8b: {  	s0 =	sand.u32 $0x1, s1  }
0x8c: {  	s17 =	sshll.u32 s0, $0xA;
	s2 =	sadd.s32 s3, s2  }
0x8d: {  	s2 =	sadd.s32 s2, s17  }
0x8e: {  	[smem:$0x3FC2] =	sst s2  }
0x8f: {  	_ = 	snop  }
0x90: {  	s2 =	sld [smem:$0x3FD0];
	(tm) =	ssettm $0x1  }
0x91: {  	s18 =	sld [smem:$0x3FFB];
	_ =	sdelay $0x3  }
0x92: {  	_ =	strace s18  }
0x93: {  	s3 =	sld [smem:$0x3FFC];
	_ =	sdelay $0x3  }
0x94: {  	_ =	strace s3  }
0x95: {  	s3 =	sld [smem:$0x3FFD];
	_ =	sdelay $0x3  }
0x96: {  	_ =	strace s3  }
0x97: {  	_ =	strace $0x8FFFFFFF  }
0x98: {  	s19 =	sld [smem:$0x3FDB];
	_ =	sdelay $0x1  }
0x99: {  	s4 =	simm.s32 $_scs_section_size  }
0x9a: {  	s5 =	simm.s32 $_size__tile_overlayer_lowered;
	s6 =	simm.s32 $_tile_overlayer_lowered  }
0x9b: {  	s22 =	simm.s32 $0x1BFF;
	s21 =	sshll.u32 s6, $0x1;
	s3 =	sadd.s32 s4, s19  }
0x9c: {  	s7 =	simm.s32 $0x0;
	s20 =	sshll.u32 s5, $0x1;
	s5 =	sadd.s32 s21, s3  }
0x9d: {  	[timem:s7], [sflag:s22] =	dma.local [hbm:s5], s20  }
0x9e: {  	_ =	swait.ge [sflag:s22], s20  }
0x9f: {  	s4 =	ssub.s32 $0x0, s20;
	[sflag:s22] =	ssyncset.done $0x0  }
0xa0: {  	[sflag:s22] =	ssyncadd.s32 s4;
	_ =	sdelay $0x1  }
0xa1: {  	s23 =	simm.s32 $0x1B8B  }
0xa2: {  	_ =	swait.ge [sflag:s23], $0x1  }
0xa3: {  	[sflag:s23] =	ssyncset.done $0x0  }
0xa4: {  	s25 =	simm.s32 $0x1B8E;
	s24 =	sld [smem:$0x3FFE];
	[sflag:s23] =	ssyncadd.s32 $0xFFFFFFFF  }
0xa5: {  	s26 =	simm.s32 $execute0_lowered;
	[smem:$0x3FD2] =	sst s25  }
0xa6: {  	s5 =	sshll.u32 s26, $0x1;
	_ =	strace $0x80000049;
	[dreg:$0x1] =	wrdreg $0xFFFFFFFF  }
0xa7: {  	s28 =	simm.s32 $_size_execute0_lowered;
	s3 =	sadd.s32 s3, s5;
	[dreg:$0x0] =	wrdreg $0x0  }
0xa8: {  	s5 =	sshll.u32 s28, $0x1;
	[dreg:$0x2] =	wrdreg s3  }
0xa9: {  	[dreg:$0x3] =	wrdreg s5  }
0xaa: {  	[dreg:$0x4] =	wrdreg $0xC0  }
0xab: {  	_ =	task [dreg:s7], $0x5FFFF  }
0xac: {  	[dreg:$0x1] =	wrdreg $0xFFFFFFFF  }
0xad: {  	[dreg:$0x0] =	wrdreg $0x60  }
0xae: {  	[dreg:$0x2] =	wrdreg s24  }
0xaf: {  	[dreg:$0x3] =	wrdreg s2  }
0xb0: {  	[dreg:$0x4] =	wrdreg $0x90000  }
0xb1: {  	[dreg:$0x5] =	wrdreg $0x9  }
0xb2: {  	_ =	task.clear_ibuf [dreg:s7], $0x6FFFF;
	_ =	strace $0x90000049  }
0xb3: {  	s29 =	simm.s32 $0x9;
	_ =	strace $0x8000004B  }
0xb4: {  	_ =	swait.ge [sflag:s29], $0x1  }
0xb5: {  	[sflag:s29] =	ssyncadd.s32 $0xFFFFFFFF  }
0xb6: {  	_ =	strace $0x9000004B  }
0xb7: {  	_ =	sfence  }
0xb8: {  	s30 =	sld [smem:$0x0];
	_ =	sdelay $0x2  }
0xb9: {  	s31 =	sshll.u32 s1, $0xD;
	s1 =	sshrl.u32 s1, $0x2  }
0xba: {  	s3 =	sand.u32 $0x4000, s31;
	s1 =	sadd.s32 s1, s30  }
0xbb: {  	s0 =	sor.u32 s3, s0;
	s1 =	sshll.u32 s1, $0x11  }
0xbc: {  	s0 =	sor.u32 s1, s0  }
0xbd: {  	s0 =	sadd.s32 $0x8F2B, s0  }
0xbe: {  	[sflag:s0] =	ssyncadd.remote.s32 $0x1  }
0xbf: {  	_ =	sfence.sel $0xFFFF  }
0xc0: {  	[dreg:$0x0] =	wrdreg $0xFFFFFFFF;
	(pc) =	sbr.abs _section_cstart, $3  }
0xc1: {  	[dreg:$0x1] =	wrdreg $0xFFFFFFFF  }
0xc2: {  	_ =	task.clear_ibuf [dreg:s7], $0x2FFFF;
	_ =	strace $0x9FFFFFFF  }
0xc3: {  	(tm) =	ssettm $0x7FFFFFFF  }
tec
execute0_lowered:
.L_overlay_start_1:
0x0: {  	(tag) =	ssettag $0x1  }
0x1: {  	s5 =	rddreg [dreg:$0x0]  }
0x2: {  	s1 =	srdreg.scid;
	s6 =	rddreg [dreg:$0x1]  }
0x3: {  	s0 =	stileid.u32;
	s2 =	rddreg [dreg:$0x2]  }
0x4: {  	s3 =	simm.s32 $0x0;
	s14 =	simm.s32 $0x80;
	s8 =	smul.u32 $0x2800, s0  }
0x5: {  	s15 =	simm.s32 $0x5000;
	s16 =	simm.s32 $0x1;
	s9 =	smul.u32 $0x14000, s0  }
0x6: {  	s7 =	sand.u32 $0x1, s1;
	s1 =	rddreg [dreg:$0x3];
	s12 =	smul.u32 $0x50000, s0  }
0x7: {  	s17 =	simm.s32 $0x0;
	[smem:$0x7FF] =	sst s3;
	s4 =	smul.u32 $0x28000, s7  }
0x8: {  	s31 =	sshll.u32 s0, $0x6;
	s11 =	smul.u32 $0x140000, s7;
	s7 =	ssub.s32 $0x2, s7  }
0x9: {  	_ =	strace $0x8000004A;
	s28 =	sshrl.u32 s7, $0x1;
	s29 =	sshrl.u32 s12, $0x2  }
0xa: {  	s30 =	sshrl.u32 s9, $0x3;
	s10 =	sadd.s32 s8, s4;
	s4 =	sadd.s32 $0x6400, s5  }
0xb: {  	s8 =	sshrl.u32 s8, $0x3;
	s11 =	sadd.s32 s9, s11;
	s13 =	ssub.s32 s7, s28  }
0xc: {  	s12 =	sadd.s32 s29, s2;
	s10 =	sshrl.u32 s10, $0x3;
	s11 =	sshrl.u32 s11, $0x3  }
0xd: {  	s8 =	sadd.s32 s8, s5;
	s10 =	sadd.s32 s10, s5;
	s11 =	sadd.s32 s11, s5  }
0xe: {  	s5 =	sadd.s32 s6, s30;
	s6 =	sor.u32 $0x1C02, s31;
	s8 =	sadd.s32 $0x1400, s8  }
0xf: {  	s7 =	sadd.s32 $0x56A00, s10;
	s9 =	sadd.s32 $0x60A00, s11;
	s10 =	smax.u32 s13, $0x1  }
0x10: {  	s11 =	sshrl.u32 s12, $0x3;
	s12 =	simm.s32 $0x2;
	s13 =	simm.s32 $0x2800  }
.LBB2_1:
0x11: {  	[spmem:s11], [sflag:s6] =	dma.local [hbm:s5], $0x2800  }
0x12: {  	_ =	swait.ge [sflag:s12], $0x2800  }
0x13: {  	[sflag:s12] =	ssyncset.done $0x0  }
0x14: {  	[sflag:s12] =	ssyncadd.s32 $0xFFFFD800  }
0x15: {  	[tilespmem:s3], [sflag:$0x2] =	stream.linear.gather [hbm4b:s7+s3], $0x2800, $0x38;
	[tilespmem:$0x1D000] =	vst v63  }
0x16: {  	_ =	swait.ge [sflag:s12], $0x2800  }
0x17: {  	[sflag:s12] =	ssyncset.done $0x0  }
0x18: {  	[sflag:s12] =	ssyncadd.s32 $0xFFFFD800  }
0x19: {  	[tilespmem:s13], [sflag:$0x2] =	stream.linear.gather [hbm4b:s8+s3], $0x2800, $0x38;
	[tilespmem:$0x1D000] =	vst v63  }
0x1a: {  	_ =	swait.ge [sflag:s12], $0x2800  }
0x1b: {  	[sflag:s12] =	ssyncset.done $0x0  }
0x1c: {  	[sflag:s12] =	ssyncadd.s32 $0xFFFFD800  }
0x1d: {  	s18 =	simm.s32 $0x0;
	[bflag:$0x0] =	sbarrier.arrive $0xFFFF  }
0x1e: {  	[tilespmem:s15], [sflag:$0x1] =	stream.indirect.gather [hbm4b:s4+s14], $0x80, s18, s14, $0xb8;
	[tilespmem:$0x1D000] =	vst v63  }
0x1f: {  	_ =	swait.ge [sflag:s16], $0x4000  }
0x20: {  	[sflag:s16] =	ssyncset.done $0x0  }
0x21: {  	s31 =	simm.s32 $0x2800;
	[sflag:s16] =	ssyncadd.s32 $0xFFFFC000  }
0x22: {  	[spmem:s2] =	stream.indirect.scatter.add.f32 [tilespmem:s15], [sflag:$0x2], $0x80, s31, s14, $0xb8;
	[tilespmem:$0x1D000] =	vst v63  }
0x23: {  	_ =	swait.ge [sflag:s12], $0x4000  }
0x24: {  	s19 =	simm.s32 $0x400;
	s18 =	simm.s32 $0x200;
	[sflag:s12] =	ssyncset.done $0x0  }
.LBB2_2:
0x25: {  	s20 =	sshra.s32 s18, $0x2  }
0x26: {  	[sflag:s12] =	ssyncadd.s32 $0xFFFFC000;
	s18 =	smov.u32 s19;
	s21 =	sadd.s32 $0x200, s19  }
0x27: {  	[tilespmem:s15], [sflag:$0x1] =	stream.indirect.gather [hbm4b:s4+s14], $0x80, s20, s14, $0xb8;
	[tilespmem:$0x1D000] =	vst v63  }
0x28: {  	p0 =	sne.s32 s19, $0x9E00;
	_ =	swait.ge [sflag:s16], $0x4000  }
.Ltmp0:
0x29: {  	[sflag:s16] =	ssyncset.done $0x0;
	(pc) =	sbr.rel @p0 .LBB2_2-.Ltmp0, $4  }
0x2a: {  	s19 =	sadd.s32 $0x2800, s20;
	[sflag:s16] =	ssyncadd.s32 $0xFFFFC000  }
0x2b: {  	[spmem:s2] =	stream.indirect.scatter.add.f32 [tilespmem:s15], [sflag:$0x2], $0x80, s19, s14, $0xb8;
	[tilespmem:$0x1D000] =	vst v63  }
0x2c: {  	_ =	swait.ge [sflag:s12], $0x4000  }
0x2d: {  	s19 =	smov.u32 s21;
	[sflag:s12] =	ssyncset.done $0x0  }
0x2e: {  	s18 =	sshra.s32 s18, $0x2;
	[sflag:s12] =	ssyncadd.s32 $0xFFFFC000  }
0x2f: {  	[tilespmem:s15], [sflag:$0x1] =	stream.indirect.gather [hbm4b:s4+s14], $0x80, s18, s14, $0xb8;
	[tilespmem:$0x1D000] =	vst v63  }
0x30: {  	_ =	swait.ge [sflag:s16], $0x4000  }
0x31: {  	[sflag:s16] =	ssyncset.done $0x0  }
0x32: {  	s18 =	sadd.s32 $0x2800, s18;
	[sflag:s16] =	ssyncadd.s32 $0xFFFFC000  }
0x33: {  	[spmem:s2] =	stream.indirect.scatter.add.f32 [tilespmem:s15], [sflag:$0x2], $0x80, s18, s14, $0xb8;
	[tilespmem:$0x1D000] =	vst v63  }
0x34: {  	_ =	swait.ge [sflag:s12], $0x4000  }
0x35: {  	s17 =	sadd.s32 $0x1, s17;
	[sflag:s12] =	ssyncset.done $0x0  }
0x36: {  	p0 =	sne.s32 s17, s10;
	[sflag:s12] =	ssyncadd.s32 $0xFFFFC000  }
.Ltmp1:
0x37: {  	[bflag:$0x0] =	sbarrier.arrive $0xFFFF;
	(pc) =	sbr.rel @p0 .LBB2_1-.Ltmp1, $4  }
0x38: {  	[hbm:s9], [sflag:s6] =	dma.local [spmem:s11], $0x2800  }
0x39: {  	_ =	swait.ge [sflag:s12], $0x2800  }
0x3a: {  	[sflag:s12] =	ssyncset.done $0x0  }
0x3b: {  	[sflag:s12] =	ssyncadd.s32 $0xFFFFD800  }
0x3c: {  	_ =	sfence.sel $0x180000  }
0x3d: {  	[bflag:$0x0] =	sbarrier.arrive $0xFFFF  }
0x3e: {  	p0 =	sne.s32 s0, $0x0;
	_ =	strace $0x9000004A  }
0x3f: {  	s0 =	sadd.s32 @!p0 $0x100000, s1;
	[bflag:$0x2] =	sbarrier.arrive $0xFFFF  }
0x40: {  	[sflag:s0] =	ssyncadd.tile.s32 @!p0 $0x1;
	_ =	shalt  }
.Lfunc_end2:
_tile_overlayer_lowered:
.L_overlay_start_2:
0x41: {  	(tag) =	ssettag $0x2  }
0x42: {  	s0 =	rddreg [dreg:$0x0];
	s2 =	stileid.u32  }
0x43: {  	s1 =	rddreg [dreg:$0x1];
	p0 =	sne.s32 s2, $0x0  }
0x44: {  	s3 =	rddreg [dreg:$0x2];
	[bflag:$0x3] =	sbarrier.arrive $0xFFFF;
	s2 =	simm.s32 @!p0 $0x1C02  }
0x45: {  	[timem:s3], [sflag:s2] =	dma.local @!p0 [hbm:s0], s1  }
0x46: {  	s0 =	simm.s32 @!p0 $0x2  }
0x47: {  	_ =	swait.ge @!p0 [sflag:s0], s1  }
0x48: {  	s1 =	ssub.s32 @!p0 $0x0, s1;
	[sflag:s0] =	ssyncset.done @!p0 $0x0  }
0x49: {  	[sflag:s0] =	ssyncadd.s32 @!p0 s1  }
0x4a: {  	[bflag:$0x3] =	sbarrier.arrive $0xFFFF  }
0x4b: {  	_ =	shalt  }

// kernel: kernel.14.cloned.1.call-start
scs
__scs_entry_jumppad:
0x0: {  	(pc) =	sbr.rel $0x88, $3  }
0x1: {  	(tag) =	ssettag $0x0;
	lr =	simm.s32 $0x1  }
0x2: {  	[smem:$0x3F9B] =	sst lr;
	_ =	strace $0xD0000000  }
0x3: {  	_ = 	snop  }
0x4: {  	_ = 	snop  }
0x5: {  	_ = 	snop  }
0x6: {  	_ = 	snop  }
0x7: {  	_ = 	snop  }
__scs_overlays_trampoline_lowered:
0x8: {  	[smem:$0x3FAA] =	sst s0  }
0x9: {  	[smem:$0x3FAB] =	sst s1  }
0xa: {  	[smem:$0x3FAC] =	sst s2  }
0xb: {  	[smem:$0x3FAD] =	sst s3  }
0xc: {  	[smem:$0x3FAE] =	sst s4  }
0xd: {  	[smem:$0x3FAF] =	sst s5  }
0xe: {  	[smem:$0x3FB0] =	sst s6  }
0xf: {  	[smem:$0x3FB1] =	sst s7  }
0x10: {  	[smem:$0x3FB2] =	sst s8  }
0x11: {  	[smem:$0x3FB3] =	sst s9;
	s0 =	simm.s32 @!p0 $0x0  }
0x12: {  	s1 =	sld [smem:$0x3F99];
	s0 =	simm.s32 @p0 $0x1  }
0x13: {  	[smem:$0x3FB4] =	sst s0;
	s0 =	simm.s32 @!p1 $0x0  }
0x14: {  	s2 =	sld [smem:$0x3F98];
	s0 =	simm.s32 @p1 $0x1  }
0x15: {  	[smem:$0x3FB5] =	sst s0;
	s0 =	simm.s32 @!p2 $0x0  }
0x16: {  	s3 =	sld [smem:$0x3FDB];
	s0 =	simm.s32 @p2 $0x1  }
0x17: {  	s4 =	simm.s32 $0x1BF5;
	[smem:$0x3FB7] =	sst s0  }
0x18: {  	s0 =	sld [smem:$0x3F9A];
	_ =	swait.ge [sflag:s4], $0x0  }
0x19: {  	s7 =	sld [smem:$0x3F9B]  }
0x1a: {  	s8 =	sadd.s32 $0xFFFFE003, lr  }
0x1b: {  	s9 =	sadd.s32 $0xFFFFFEF7, lr;
	s5 =	simm.s32 $0xFFFFFFFF;
	p2 =	slt.u32 s8, $0xFFFFF086  }
0x1c: {  	p1 =	slt.u32 s9, $0xF7A;
	s5 =	simm.s32 @!p2 $0x0  }
0x1d: {  	s5 =	simm.s32 @p1 $0x1;
	p0 =	seq.s32 s7, s2  }
0x1e: {  	s7 =	smul.u32 @!p0 $0xF7A, s2;
	p2 =	seq.s32 @!p0 s5, $0x0  }
0x1f: {  	s9 =	smul.u32 $0xF7A, s1;
	s8 =	simm.s32 @!p0 $0x1BF5;
	p2 =	por !p2, p0  }
0x20: {  	[sflag:s8] =	ssyncset.s32 @!p0 $0xFFFFF086;
	s6 =	sadd.s32 @!p0 s3, s7;
	s7 =	simm.s32 @!p0 $0x108  }
0x21: {  	s3 =	sadd.s32 s3, s9;
	s6 =	sadd.s32 @!p0 $0x88, s6;
	s7 =	simm.s32 @p2 $0x1082  }
0x22: {  	[simem:s7], [sflag:s8] =	dma.local @!p0 [hbm:s6], $0xF7A  }
0x23: {  	s9 =	sor.u32 $0xD0000000, s2;
	s6 =	simm.s32 $0x108;
	_ =	swait.ge @!p0 [sflag:s8], $0x0  }
0x24: {  	s3 =	sadd.s32 $0x88, s3;
	s6 =	simm.s32 @!p1 $0x1082;
	[sflag:s4] =	ssyncset.s32 $0xFFFFF086  }
0x25: {  	[simem:s6], [sflag:s4] =	dma.local [hbm:s3], $0xF7A  }
0x26: {  	[smem:$0x3F9B] =	sst s1;
	(tag) =	ssettag s2;
	_ =	strace s9  }
0x27: {  	s1 =	sld [smem:$0x3FAB]  }
0x28: {  	s2 =	sld [smem:$0x3FAC]  }
0x29: {  	s4 =	sld [smem:$0x3FAE]  }
0x2a: {  	p0 =	seq.s32 s5, $0x0;
	s5 =	sld [smem:$0x3FAF]  }
0x2b: {  	s6 =	sld [smem:$0x3FB0]  }
0x2c: {  	s7 =	sld [smem:$0x3FB1]  }
0x2d: {  	s3 =	simm.s32 $0x108;
	s8 =	sld [smem:$0x3FB2]  }
0x2e: {  	s3 =	simm.s32 @!p0 $0x1082;
	s9 =	sld [smem:$0x3FB3]  }
0x2f: {  	lr =	sadd.s32 s0, s3;
	s0 =	sld [smem:$0x3FAA]  }
0x30: {  	s3 =	sld [smem:$0x3FAD]  }
0x31: {  	[smem:$0x3FB6] =	sst s10  }
0x32: {  	s10 =	sld [smem:$0x3FB4];
	_ =	sdelay $0x3  }
0x33: {  	p0 =	seq.s32 s10, $0x1;
	s10 =	sld [smem:$0x3FB6];
	_ =	sdelay $0x3  }
0x34: {  	[smem:$0x3FB6] =	sst s10  }
0x35: {  	s10 =	sld [smem:$0x3FB5];
	_ =	sdelay $0x3  }
0x36: {  	p1 =	seq.s32 s10, $0x1;
	s10 =	sld [smem:$0x3FB6];
	_ =	sdelay $0x3  }
0x37: {  	[smem:$0x3FB6] =	sst s10  }
0x38: {  	s10 =	sld [smem:$0x3FB7]  }
0x39: {  	_ = 	snop;
	(pc) =	sbr.ind lr, $3  }
0x3a: {  	_ = 	snop  }
0x3b: {  	_ = 	snop  }
0x3c: {  	p2 =	seq.s32 s10, $0x1;
	s10 =	sld [smem:$0x3FB6]  }
0x3d: {  	_ =	shalt  }
0x3e: {  	_ =	shalt  }
0x3f: {  	_ =	shalt  }
0x40: {  	_ =	shalt  }
0x41: {  	_ =	shalt  }
0x42: {  	_ =	shalt  }
0x43: {  	_ =	shalt  }
0x44: {  	_ =	shalt  }
0x45: {  	_ =	shalt  }
0x46: {  	_ =	shalt  }
0x47: {  	_ =	shalt  }
0x48: {  	_ =	shalt  }
0x49: {  	_ =	shalt  }
0x4a: {  	_ =	shalt  }
0x4b: {  	_ =	shalt  }
0x4c: {  	_ =	shalt  }
0x4d: {  	_ =	shalt  }
0x4e: {  	_ =	shalt  }
0x4f: {  	_ =	shalt  }
0x50: {  	_ =	shalt  }
0x51: {  	_ =	shalt  }
0x52: {  	_ =	shalt  }
0x53: {  	_ =	shalt  }
0x54: {  	_ =	shalt  }
0x55: {  	_ =	shalt  }
0x56: {  	_ =	shalt  }
0x57: {  	_ =	shalt  }
0x58: {  	_ =	shalt  }
0x59: {  	_ =	shalt  }
0x5a: {  	_ =	shalt  }
0x5b: {  	_ =	shalt  }
0x5c: {  	_ =	shalt  }
0x5d: {  	_ =	shalt  }
0x5e: {  	_ =	shalt  }
0x5f: {  	_ =	shalt  }
0x60: {  	_ =	shalt  }
0x61: {  	_ =	shalt  }
0x62: {  	_ =	shalt  }
0x63: {  	_ =	shalt  }
0x64: {  	_ =	shalt  }
0x65: {  	_ =	shalt  }
0x66: {  	_ =	shalt  }
0x67: {  	_ =	shalt  }
0x68: {  	_ =	shalt  }
0x69: {  	_ =	shalt  }
0x6a: {  	_ =	shalt  }
0x6b: {  	_ =	shalt  }
0x6c: {  	_ =	shalt  }
0x6d: {  	_ =	shalt  }
0x6e: {  	_ =	shalt  }
0x6f: {  	_ =	shalt  }
0x70: {  	_ =	shalt  }
0x71: {  	_ =	shalt  }
0x72: {  	_ =	shalt  }
0x73: {  	_ =	shalt  }
0x74: {  	_ =	shalt  }
0x75: {  	_ =	shalt  }
0x76: {  	_ =	shalt  }
0x77: {  	_ =	shalt  }
0x78: {  	_ =	shalt  }
0x79: {  	_ =	shalt  }
0x7a: {  	_ =	shalt  }
0x7b: {  	_ =	shalt  }
0x7c: {  	_ =	shalt  }
0x7d: {  	_ =	shalt  }
0x7e: {  	_ =	shalt  }
0x7f: {  	_ =	shalt  }
0x80: {  	_ =	shalt  }
0x81: {  	_ =	shalt  }
0x82: {  	_ =	shalt  }
0x83: {  	_ =	shalt  }
0x84: {  	_ =	shalt  }
0x85: {  	_ =	shalt  }
0x86: {  	_ =	shalt  }
0x87: {  	_ =	shalt  }
.Lfunc_end0:
.L_simem_size_0:
called_computation.2_lowered:
.L_overlay_start_0:
0x88: {  	s2 =	sld [smem:$0x3FD9]  }
0x89: {  	s3 =	sld [smem:$0x3FFE];
	_ =	sdelay $0x1  }
0x8a: {  	s1 =	srdreg.scid  }
0x8b: {  	s0 =	sand.u32 $0x1, s1  }
0x8c: {  	s17 =	sshll.u32 s0, $0xA;
	s2 =	sadd.s32 s3, s2  }
0x8d: {  	s2 =	sadd.s32 s2, s17  }
0x8e: {  	[smem:$0x3FC2] =	sst s2  }
0x8f: {  	_ = 	snop  }
0x90: {  	s2 =	sld [smem:$0x3FD0];
	(tm) =	ssettm $0x1  }
0x91: {  	s18 =	sld [smem:$0x3FFB];
	_ =	sdelay $0x3  }
0x92: {  	_ =	strace s18  }
0x93: {  	s3 =	sld [smem:$0x3FFC];
	_ =	sdelay $0x3  }
0x94: {  	_ =	strace s3  }
0x95: {  	s3 =	sld [smem:$0x3FFD];
	_ =	sdelay $0x3  }
0x96: {  	_ =	strace s3  }
0x97: {  	_ =	strace $0x8FFFFFFF  }
0x98: {  	s19 =	sld [smem:$0x3FDB];
	_ =	sdelay $0x1  }
0x99: {  	s4 =	simm.s32 $_scs_section_size  }
0x9a: {  	s5 =	simm.s32 $_size__tile_overlayer_lowered;
	s6 =	simm.s32 $_tile_overlayer_lowered  }
0x9b: {  	s22 =	simm.s32 $0x1BFF;
	s21 =	sshll.u32 s6, $0x1;
	s3 =	sadd.s32 s4, s19  }
0x9c: {  	s7 =	simm.s32 $0x0;
	s20 =	sshll.u32 s5, $0x1;
	s5 =	sadd.s32 s21, s3  }
0x9d: {  	[timem:s7], [sflag:s22] =	dma.local [hbm:s5], s20  }
0x9e: {  	_ =	swait.ge [sflag:s22], s20  }
0x9f: {  	s4 =	ssub.s32 $0x0, s20;
	[sflag:s22] =	ssyncset.done $0x0  }
0xa0: {  	[sflag:s22] =	ssyncadd.s32 s4;
	_ =	sdelay $0x1  }
0xa1: {  	s23 =	simm.s32 $0x1B8B  }
0xa2: {  	_ =	swait.ge [sflag:s23], $0x1  }
0xa3: {  	[sflag:s23] =	ssyncset.done $0x0  }
0xa4: {  	s25 =	simm.s32 $0x1B8E;
	s24 =	sld [smem:$0x3FFE];
	[sflag:s23] =	ssyncadd.s32 $0xFFFFFFFF  }
0xa5: {  	s26 =	simm.s32 $execute0_lowered;
	[smem:$0x3FD2] =	sst s25  }
0xa6: {  	s5 =	sshll.u32 s26, $0x1;
	_ =	strace $0x8000004C;
	[dreg:$0x1] =	wrdreg $0xFFFFFFFF  }
0xa7: {  	s28 =	simm.s32 $_size_execute0_lowered;
	s3 =	sadd.s32 s3, s5;
	[dreg:$0x0] =	wrdreg $0x0  }
0xa8: {  	s5 =	sshll.u32 s28, $0x1;
	[dreg:$0x2] =	wrdreg s3  }
0xa9: {  	[dreg:$0x3] =	wrdreg s5  }
0xaa: {  	[dreg:$0x4] =	wrdreg $0xC0  }
0xab: {  	_ =	task [dreg:s7], $0x5FFFF  }
0xac: {  	[dreg:$0x1] =	wrdreg $0xFFFFFFFF  }
0xad: {  	[dreg:$0x0] =	wrdreg $0x60  }
0xae: {  	[dreg:$0x2] =	wrdreg s24  }
0xaf: {  	[dreg:$0x3] =	wrdreg s2  }
0xb0: {  	[dreg:$0x4] =	wrdreg $0x90000  }
0xb1: {  	[dreg:$0x5] =	wrdreg $0x9  }
0xb2: {  	_ =	task.clear_ibuf [dreg:s7], $0x6FFFF;
	_ =	strace $0x9000004C  }
0xb3: {  	s29 =	simm.s32 $0x9;
	_ =	strace $0x8000004E  }
0xb4: {  	_ =	swait.ge [sflag:s29], $0x1  }
0xb5: {  	[sflag:s29] =	ssyncadd.s32 $0xFFFFFFFF  }
0xb6: {  	_ =	strace $0x9000004E  }
0xb7: {  	_ =	sfence  }
0xb8: {  	s30 =	sld [smem:$0x0];
	_ =	sdelay $0x2  }
0xb9: {  	s31 =	sshll.u32 s1, $0xD;
	s1 =	sshrl.u32 s1, $0x2  }
0xba: {  	s3 =	sand.u32 $0x4000, s31;
	s1 =	sadd.s32 s1, s30  }
0xbb: {  	s0 =	sor.u32 s3, s0;
	s1 =	sshll.u32 s1, $0x11  }
0xbc: {  	s0 =	sor.u32 s1, s0  }
0xbd: {  	s0 =	sadd.s32 $0x8F2B, s0  }
0xbe: {  	[sflag:s0] =	ssyncadd.remote.s32 $0x1  }
0xbf: {  	_ =	sfence.sel $0xFFFF  }
0xc0: {  	[dreg:$0x0] =	wrdreg $0xFFFFFFFF;
	(pc) =	sbr.abs _section_cstart, $3  }
0xc1: {  	[dreg:$0x1] =	wrdreg $0xFFFFFFFF  }
0xc2: {  	_ =	task.clear_ibuf [dreg:s7], $0x2FFFF;
	_ =	strace $0x9FFFFFFF  }
0xc3: {  	(tm) =	ssettm $0x7FFFFFFF  }
tec
execute0_lowered:
.L_overlay_start_1:
0x0: {  	(tag) =	ssettag $0x1  }
0x1: {  	s5 =	rddreg [dreg:$0x0]  }
0x2: {  	s1 =	srdreg.scid;
	s6 =	rddreg [dreg:$0x1]  }
0x3: {  	s0 =	stileid.u32;
	s2 =	rddreg [dreg:$0x2]  }
0x4: {  	s3 =	simm.s32 $0x0;
	s14 =	simm.s32 $0x80;
	s8 =	smul.u32 $0x2800, s0  }
0x5: {  	s15 =	simm.s32 $0x5000;
	s16 =	simm.s32 $0x1;
	s9 =	smul.u32 $0x14000, s0  }
0x6: {  	s7 =	sand.u32 $0x1, s1;
	s1 =	rddreg [dreg:$0x3];
	s12 =	smul.u32 $0x50000, s0  }
0x7: {  	s17 =	simm.s32 $0x0;
	[smem:$0x7FF] =	sst s3;
	s4 =	smul.u32 $0x28000, s7  }
0x8: {  	s31 =	sshll.u32 s0, $0x6;
	s11 =	smul.u32 $0x140000, s7;
	s7 =	ssub.s32 $0x2, s7  }
0x9: {  	_ =	strace $0x8000004D;
	s28 =	sshrl.u32 s7, $0x1;
	s29 =	sshrl.u32 s12, $0x2  }
0xa: {  	s30 =	sshrl.u32 s9, $0x3;
	s10 =	sadd.s32 s8, s4;
	s4 =	sadd.s32 $0x6400, s5  }
0xb: {  	s8 =	sshrl.u32 s8, $0x3;
	s11 =	sadd.s32 s9, s11;
	s13 =	ssub.s32 s7, s28  }
0xc: {  	s12 =	sadd.s32 s29, s2;
	s10 =	sshrl.u32 s10, $0x3;
	s11 =	sshrl.u32 s11, $0x3  }
0xd: {  	s8 =	sadd.s32 s8, s5;
	s10 =	sadd.s32 s10, s5;
	s11 =	sadd.s32 s11, s5  }
0xe: {  	s5 =	sadd.s32 s6, s30;
	s6 =	sor.u32 $0x1C02, s31;
	s8 =	sadd.s32 $0x1400, s8  }
0xf: {  	s7 =	sadd.s32 $0x56A00, s10;
	s9 =	sadd.s32 $0x60A00, s11;
	s10 =	smax.u32 s13, $0x1  }
0x10: {  	s11 =	sshrl.u32 s12, $0x3;
	s12 =	simm.s32 $0x2;
	s13 =	simm.s32 $0x2800  }
.LBB2_1:
0x11: {  	[spmem:s11], [sflag:s6] =	dma.local [hbm:s5], $0x2800  }
0x12: {  	_ =	swait.ge [sflag:s12], $0x2800  }
0x13: {  	[sflag:s12] =	ssyncset.done $0x0  }
0x14: {  	[sflag:s12] =	ssyncadd.s32 $0xFFFFD800  }
0x15: {  	[tilespmem:s3], [sflag:$0x2] =	stream.linear.gather [hbm4b:s7+s3], $0x2800, $0x38;
	[tilespmem:$0x1D000] =	vst v63  }
0x16: {  	_ =	swait.ge [sflag:s12], $0x2800  }
0x17: {  	[sflag:s12] =	ssyncset.done $0x0  }
0x18: {  	[sflag:s12] =	ssyncadd.s32 $0xFFFFD800  }
0x19: {  	[tilespmem:s13], [sflag:$0x2] =	stream.linear.gather [hbm4b:s8+s3], $0x2800, $0x38;
	[tilespmem:$0x1D000] =	vst v63  }
0x1a: {  	_ =	swait.ge [sflag:s12], $0x2800  }
0x1b: {  	[sflag:s12] =	ssyncset.done $0x0  }
0x1c: {  	[sflag:s12] =	ssyncadd.s32 $0xFFFFD800  }
0x1d: {  	s18 =	simm.s32 $0x0;
	[bflag:$0x0] =	sbarrier.arrive $0xFFFF  }
0x1e: {  	[tilespmem:s15], [sflag:$0x1] =	stream.indirect.gather [hbm4b:s4+s14], $0x80, s18, s14, $0xb8;
	[tilespmem:$0x1D000] =	vst v63  }
0x1f: {  	_ =	swait.ge [sflag:s16], $0x4000  }
0x20: {  	[sflag:s16] =	ssyncset.done $0x0  }
0x21: {  	s31 =	simm.s32 $0x2800;
	[sflag:s16] =	ssyncadd.s32 $0xFFFFC000  }
0x22: {  	[spmem:s2] =	stream.indirect.scatter.add.f32 [tilespmem:s15], [sflag:$0x2], $0x80, s31, s14, $0xb8;
	[tilespmem:$0x1D000] =	vst v63  }
0x23: {  	_ =	swait.ge [sflag:s12], $0x4000  }
0x24: {  	s19 =	simm.s32 $0x400;
	s18 =	simm.s32 $0x200;
	[sflag:s12] =	ssyncset.done $0x0  }
.LBB2_2:
0x25: {  	s20 =	sshra.s32 s18, $0x2  }
0x26: {  	[sflag:s12] =	ssyncadd.s32 $0xFFFFC000;
	s18 =	smov.u32 s19;
	s21 =	sadd.s32 $0x200, s19  }
0x27: {  	[tilespmem:s15], [sflag:$0x1] =	stream.indirect.gather [hbm4b:s4+s14], $0x80, s20, s14, $0xb8;
	[tilespmem:$0x1D000] =	vst v63  }
0x28: {  	p0 =	sne.s32 s19, $0x9E00;
	_ =	swait.ge [sflag:s16], $0x4000  }
.Ltmp0:
0x29: {  	[sflag:s16] =	ssyncset.done $0x0;
	(pc) =	sbr.rel @p0 .LBB2_2-.Ltmp0, $4  }
0x2a: {  	s19 =	sadd.s32 $0x2800, s20;
	[sflag:s16] =	ssyncadd.s32 $0xFFFFC000  }
0x2b: {  	[spmem:s2] =	stream.indirect.scatter.add.f32 [tilespmem:s15], [sflag:$0x2], $0x80, s19, s14, $0xb8;
	[tilespmem:$0x1D000] =	vst v63  }
0x2c: {  	_ =	swait.ge [sflag:s12], $0x4000  }
0x2d: {  	s19 =	smov.u32 s21;
	[sflag:s12] =	ssyncset.done $0x0  }
0x2e: {  	s18 =	sshra.s32 s18, $0x2;
	[sflag:s12] =	ssyncadd.s32 $0xFFFFC000  }
0x2f: {  	[tilespmem:s15], [sflag:$0x1] =	stream.indirect.gather [hbm4b:s4+s14], $0x80, s18, s14, $0xb8;
	[tilespmem:$0x1D000] =	vst v63  }
0x30: {  	_ =	swait.ge [sflag:s16], $0x4000  }
0x31: {  	[sflag:s16] =	ssyncset.done $0x0  }
0x32: {  	s18 =	sadd.s32 $0x2800, s18;
	[sflag:s16] =	ssyncadd.s32 $0xFFFFC000  }
0x33: {  	[spmem:s2] =	stream.indirect.scatter.add.f32 [tilespmem:s15], [sflag:$0x2], $0x80, s18, s14, $0xb8;
	[tilespmem:$0x1D000] =	vst v63  }
0x34: {  	_ =	swait.ge [sflag:s12], $0x4000  }
0x35: {  	s17 =	sadd.s32 $0x1, s17;
	[sflag:s12] =	ssyncset.done $0x0  }
0x36: {  	p0 =	sne.s32 s17, s10;
	[sflag:s12] =	ssyncadd.s32 $0xFFFFC000  }
.Ltmp1:
0x37: {  	[bflag:$0x0] =	sbarrier.arrive $0xFFFF;
	(pc) =	sbr.rel @p0 .LBB2_1-.Ltmp1, $4  }
0x38: {  	[hbm:s9], [sflag:s6] =	dma.local [spmem:s11], $0x2800  }
0x39: {  	_ =	swait.ge [sflag:s12], $0x2800  }
0x3a: {  	[sflag:s12] =	ssyncset.done $0x0  }
0x3b: {  	[sflag:s12] =	ssyncadd.s32 $0xFFFFD800  }
0x3c: {  	_ =	sfence.sel $0x180000  }
0x3d: {  	[bflag:$0x0] =	sbarrier.arrive $0xFFFF  }
0x3e: {  	p0 =	sne.s32 s0, $0x0;
	_ =	strace $0x9000004D  }
0x3f: {  	s0 =	sadd.s32 @!p0 $0x100000, s1;
	[bflag:$0x2] =	sbarrier.arrive $0xFFFF  }
0x40: {  	[sflag:s0] =	ssyncadd.tile.s32 @!p0 $0x1;
	_ =	shalt  }
.Lfunc_end2:
_tile_overlayer_lowered:
.L_overlay_start_2:
0x41: {  	(tag) =	ssettag $0x2  }
0x42: {  	s0 =	rddreg [dreg:$0x0];
	s2 =	stileid.u32  }
0x43: {  	s1 =	rddreg [dreg:$0x1];
	p0 =	sne.s32 s2, $0x0  }
0x44: {  	s3 =	rddreg [dreg:$0x2];
	[bflag:$0x3] =	sbarrier.arrive $0xFFFF;
	s2 =	simm.s32 @!p0 $0x1C02  }
0x45: {  	[timem:s3], [sflag:s2] =	dma.local @!p0 [hbm:s0], s1  }
0x46: {  	s0 =	simm.s32 @!p0 $0x2  }
0x47: {  	_ =	swait.ge @!p0 [sflag:s0], s1  }
0x48: {  	s1 =	ssub.s32 @!p0 $0x0, s1;
	[sflag:s0] =	ssyncset.done @!p0 $0x0  }
0x49: {  	[sflag:s0] =	ssyncadd.s32 @!p0 s1  }
0x4a: {  	[bflag:$0x3] =	sbarrier.arrive $0xFFFF  }
0x4b: {  	_ =	shalt  }

// kernel: kernel.8.cloned.1.call-start
scs
__scs_entry_jumppad:
0x0: {  	(pc) =	sbr.rel $0x88, $3  }
0x1: {  	(tag) =	ssettag $0x0;
	lr =	simm.s32 $0x1  }
0x2: {  	[smem:$0x3F9B] =	sst lr;
	_ =	strace $0xD0000000  }
0x3: {  	_ = 	snop  }
0x4: {  	_ = 	snop  }
0x5: {  	_ = 	snop  }
0x6: {  	_ = 	snop  }
0x7: {  	_ = 	snop  }
__scs_overlays_trampoline_lowered:
0x8: {  	[smem:$0x3FAA] =	sst s0  }
0x9: {  	[smem:$0x3FAB] =	sst s1  }
0xa: {  	[smem:$0x3FAC] =	sst s2  }
0xb: {  	[smem:$0x3FAD] =	sst s3  }
0xc: {  	[smem:$0x3FAE] =	sst s4  }
0xd: {  	[smem:$0x3FAF] =	sst s5  }
0xe: {  	[smem:$0x3FB0] =	sst s6  }
0xf: {  	[smem:$0x3FB1] =	sst s7  }
0x10: {  	[smem:$0x3FB2] =	sst s8  }
0x11: {  	[smem:$0x3FB3] =	sst s9;
	s0 =	simm.s32 @!p0 $0x0  }
0x12: {  	s1 =	sld [smem:$0x3F99];
	s0 =	simm.s32 @p0 $0x1  }
0x13: {  	[smem:$0x3FB4] =	sst s0;
	s0 =	simm.s32 @!p1 $0x0  }
0x14: {  	s2 =	sld [smem:$0x3F98];
	s0 =	simm.s32 @p1 $0x1  }
0x15: {  	[smem:$0x3FB5] =	sst s0;
	s0 =	simm.s32 @!p2 $0x0  }
0x16: {  	s3 =	sld [smem:$0x3FDB];
	s0 =	simm.s32 @p2 $0x1  }
0x17: {  	s4 =	simm.s32 $0x1BF5;
	[smem:$0x3FB7] =	sst s0  }
0x18: {  	s0 =	sld [smem:$0x3F9A];
	_ =	swait.ge [sflag:s4], $0x0  }
0x19: {  	s7 =	sld [smem:$0x3F9B]  }
0x1a: {  	s8 =	sadd.s32 $0xFFFFE003, lr  }
0x1b: {  	s9 =	sadd.s32 $0xFFFFFEF7, lr;
	s5 =	simm.s32 $0xFFFFFFFF;
	p2 =	slt.u32 s8, $0xFFFFF086  }
0x1c: {  	p1 =	slt.u32 s9, $0xF7A;
	s5 =	simm.s32 @!p2 $0x0  }
0x1d: {  	s5 =	simm.s32 @p1 $0x1;
	p0 =	seq.s32 s7, s2  }
0x1e: {  	s7 =	smul.u32 @!p0 $0xF7A, s2;
	p2 =	seq.s32 @!p0 s5, $0x0  }
0x1f: {  	s9 =	smul.u32 $0xF7A, s1;
	s8 =	simm.s32 @!p0 $0x1BF5;
	p2 =	por !p2, p0  }
0x20: {  	[sflag:s8] =	ssyncset.s32 @!p0 $0xFFFFF086;
	s6 =	sadd.s32 @!p0 s3, s7;
	s7 =	simm.s32 @!p0 $0x108  }
0x21: {  	s3 =	sadd.s32 s3, s9;
	s6 =	sadd.s32 @!p0 $0x88, s6;
	s7 =	simm.s32 @p2 $0x1082  }
0x22: {  	[simem:s7], [sflag:s8] =	dma.local @!p0 [hbm:s6], $0xF7A  }
0x23: {  	s9 =	sor.u32 $0xD0000000, s2;
	s6 =	simm.s32 $0x108;
	_ =	swait.ge @!p0 [sflag:s8], $0x0  }
0x24: {  	s3 =	sadd.s32 $0x88, s3;
	s6 =	simm.s32 @!p1 $0x1082;
	[sflag:s4] =	ssyncset.s32 $0xFFFFF086  }
0x25: {  	[simem:s6], [sflag:s4] =	dma.local [hbm:s3], $0xF7A  }
0x26: {  	[smem:$0x3F9B] =	sst s1;
	(tag) =	ssettag s2;
	_ =	strace s9  }
0x27: {  	s1 =	sld [smem:$0x3FAB]  }
0x28: {  	s2 =	sld [smem:$0x3FAC]  }
0x29: {  	s4 =	sld [smem:$0x3FAE]  }
0x2a: {  	p0 =	seq.s32 s5, $0x0;
	s5 =	sld [smem:$0x3FAF]  }
0x2b: {  	s6 =	sld [smem:$0x3FB0]  }
0x2c: {  	s7 =	sld [smem:$0x3FB1]  }
0x2d: {  	s3 =	simm.s32 $0x108;
	s8 =	sld [smem:$0x3FB2]  }
0x2e: {  	s3 =	simm.s32 @!p0 $0x1082;
	s9 =	sld [smem:$0x3FB3]  }
0x2f: {  	lr =	sadd.s32 s0, s3;
	s0 =	sld [smem:$0x3FAA]  }
0x30: {  	s3 =	sld [smem:$0x3FAD]  }
0x31: {  	[smem:$0x3FB6] =	sst s10  }
0x32: {  	s10 =	sld [smem:$0x3FB4];
	_ =	sdelay $0x3  }
0x33: {  	p0 =	seq.s32 s10, $0x1;
	s10 =	sld [smem:$0x3FB6];
	_ =	sdelay $0x3  }
0x34: {  	[smem:$0x3FB6] =	sst s10  }
0x35: {  	s10 =	sld [smem:$0x3FB5];
	_ =	sdelay $0x3  }
0x36: {  	p1 =	seq.s32 s10, $0x1;
	s10 =	sld [smem:$0x3FB6];
	_ =	sdelay $0x3  }
0x37: {  	[smem:$0x3FB6] =	sst s10  }
0x38: {  	s10 =	sld [smem:$0x3FB7]  }
0x39: {  	_ = 	snop;
	(pc) =	sbr.ind lr, $3  }
0x3a: {  	_ = 	snop  }
0x3b: {  	_ = 	snop  }
0x3c: {  	p2 =	seq.s32 s10, $0x1;
	s10 =	sld [smem:$0x3FB6]  }
0x3d: {  	_ =	shalt  }
0x3e: {  	_ =	shalt  }
0x3f: {  	_ =	shalt  }
0x40: {  	_ =	shalt  }
0x41: {  	_ =	shalt  }
0x42: {  	_ =	shalt  }
0x43: {  	_ =	shalt  }
0x44: {  	_ =	shalt  }
0x45: {  	_ =	shalt  }
0x46: {  	_ =	shalt  }
0x47: {  	_ =	shalt  }
0x48: {  	_ =	shalt  }
0x49: {  	_ =	shalt  }
0x4a: {  	_ =	shalt  }
0x4b: {  	_ =	shalt  }
0x4c: {  	_ =	shalt  }
0x4d: {  	_ =	shalt  }
0x4e: {  	_ =	shalt  }
0x4f: {  	_ =	shalt  }
0x50: {  	_ =	shalt  }
0x51: {  	_ =	shalt  }
0x52: {  	_ =	shalt  }
0x53: {  	_ =	shalt  }
0x54: {  	_ =	shalt  }
0x55: {  	_ =	shalt  }
0x56: {  	_ =	shalt  }
0x57: {  	_ =	shalt  }
0x58: {  	_ =	shalt  }
0x59: {  	_ =	shalt  }
0x5a: {  	_ =	shalt  }
0x5b: {  	_ =	shalt  }
0x5c: {  	_ =	shalt  }
0x5d: {  	_ =	shalt  }
0x5e: {  	_ =	shalt  }
0x5f: {  	_ =	shalt  }
0x60: {  	_ =	shalt  }
0x61: {  	_ =	shalt  }
0x62: {  	_ =	shalt  }
0x63: {  	_ =	shalt  }
0x64: {  	_ =	shalt  }
0x65: {  	_ =	shalt  }
0x66: {  	_ =	shalt  }
0x67: {  	_ =	shalt  }
0x68: {  	_ =	shalt  }
0x69: {  	_ =	shalt  }
0x6a: {  	_ =	shalt  }
0x6b: {  	_ =	shalt  }
0x6c: {  	_ =	shalt  }
0x6d: {  	_ =	shalt  }
0x6e: {  	_ =	shalt  }
0x6f: {  	_ =	shalt  }
0x70: {  	_ =	shalt  }
0x71: {  	_ =	shalt  }
0x72: {  	_ =	shalt  }
0x73: {  	_ =	shalt  }
0x74: {  	_ =	shalt  }
0x75: {  	_ =	shalt  }
0x76: {  	_ =	shalt  }
0x77: {  	_ =	shalt  }
0x78: {  	_ =	shalt  }
0x79: {  	_ =	shalt  }
0x7a: {  	_ =	shalt  }
0x7b: {  	_ =	shalt  }
0x7c: {  	_ =	shalt  }
0x7d: {  	_ =	shalt  }
0x7e: {  	_ =	shalt  }
0x7f: {  	_ =	shalt  }
0x80: {  	_ =	shalt  }
0x81: {  	_ =	shalt  }
0x82: {  	_ =	shalt  }
0x83: {  	_ =	shalt  }
0x84: {  	_ =	shalt  }
0x85: {  	_ =	shalt  }
0x86: {  	_ =	shalt  }
0x87: {  	_ =	shalt  }
.Lfunc_end0:
.L_simem_size_0:
called_computation_lowered:
.L_overlay_start_0:
0x88: {  	s2 =	sld [smem:$0x3FD9]  }
0x89: {  	s3 =	sld [smem:$0x3FFE];
	_ =	sdelay $0x1  }
0x8a: {  	s1 =	srdreg.scid  }
0x8b: {  	s0 =	sand.u32 $0x1, s1  }
0x8c: {  	s17 =	sshll.u32 s0, $0xA;
	s2 =	sadd.s32 s3, s2  }
0x8d: {  	s2 =	sadd.s32 s2, s17  }
0x8e: {  	[smem:$0x3FC2] =	sst s2  }
0x8f: {  	_ = 	snop  }
0x90: {  	s2 =	sld [smem:$0x3FD0];
	(tm) =	ssettm $0x1  }
0x91: {  	s18 =	sld [smem:$0x3FFB];
	_ =	sdelay $0x3  }
0x92: {  	_ =	strace s18  }
0x93: {  	s3 =	sld [smem:$0x3FFC];
	_ =	sdelay $0x3  }
0x94: {  	_ =	strace s3  }
0x95: {  	s3 =	sld [smem:$0x3FFD];
	_ =	sdelay $0x3  }
0x96: {  	_ =	strace s3  }
0x97: {  	_ =	strace $0x8FFFFFFF  }
0x98: {  	s19 =	sld [smem:$0x3FDB];
	_ =	sdelay $0x1  }
0x99: {  	s4 =	simm.s32 $_scs_section_size  }
0x9a: {  	s5 =	simm.s32 $_size__tile_overlayer_lowered;
	s6 =	simm.s32 $_tile_overlayer_lowered  }
0x9b: {  	s22 =	simm.s32 $0x1BFF;
	s21 =	sshll.u32 s6, $0x1;
	s3 =	sadd.s32 s4, s19  }
0x9c: {  	s7 =	simm.s32 $0x0;
	s20 =	sshll.u32 s5, $0x1;
	s5 =	sadd.s32 s21, s3  }
0x9d: {  	[timem:s7], [sflag:s22] =	dma.local [hbm:s5], s20  }
0x9e: {  	_ =	swait.ge [sflag:s22], s20  }
0x9f: {  	s4 =	ssub.s32 $0x0, s20;
	[sflag:s22] =	ssyncset.done $0x0  }
0xa0: {  	[sflag:s22] =	ssyncadd.s32 s4;
	_ =	sdelay $0x1  }
0xa1: {  	s23 =	simm.s32 $0x1B8B  }
0xa2: {  	_ =	swait.ge [sflag:s23], $0x1  }
0xa3: {  	[sflag:s23] =	ssyncset.done $0x0  }
0xa4: {  	s25 =	simm.s32 $0x1B8E;
	s24 =	sld [smem:$0x3FFE];
	[sflag:s23] =	ssyncadd.s32 $0xFFFFFFFF  }
0xa5: {  	s26 =	simm.s32 $execute0_lowered;
	[smem:$0x3FD2] =	sst s25  }
0xa6: {  	s5 =	sshll.u32 s26, $0x1;
	_ =	strace $0x80000046;
	[dreg:$0x1] =	wrdreg $0xFFFFFFFF  }
0xa7: {  	s28 =	simm.s32 $_size_execute0_lowered;
	s3 =	sadd.s32 s3, s5;
	[dreg:$0x0] =	wrdreg $0x0  }
0xa8: {  	s5 =	sshll.u32 s28, $0x1;
	[dreg:$0x2] =	wrdreg s3  }
0xa9: {  	[dreg:$0x3] =	wrdreg s5  }
0xaa: {  	[dreg:$0x4] =	wrdreg $0xC0  }
0xab: {  	_ =	task [dreg:s7], $0x5FFFF  }
0xac: {  	[dreg:$0x1] =	wrdreg $0xFFFFFFFF  }
0xad: {  	[dreg:$0x0] =	wrdreg $0x60  }
0xae: {  	[dreg:$0x2] =	wrdreg s24  }
0xaf: {  	[dreg:$0x3] =	wrdreg s2  }
0xb0: {  	[dreg:$0x4] =	wrdreg $0x14800  }
0xb1: {  	[dreg:$0x5] =	wrdreg $0x9  }
0xb2: {  	_ =	task.clear_ibuf [dreg:s7], $0x6FFFF;
	_ =	strace $0x90000046  }
0xb3: {  	s29 =	simm.s32 $0x9;
	_ =	strace $0x80000048  }
0xb4: {  	_ =	swait.ge [sflag:s29], $0x1  }
0xb5: {  	[sflag:s29] =	ssyncadd.s32 $0xFFFFFFFF  }
0xb6: {  	_ =	strace $0x90000048  }
0xb7: {  	_ =	sfence  }
0xb8: {  	s30 =	sld [smem:$0x0];
	_ =	sdelay $0x2  }
0xb9: {  	s31 =	sshll.u32 s1, $0xD;
	s1 =	sshrl.u32 s1, $0x2  }
0xba: {  	s3 =	sand.u32 $0x4000, s31;
	s1 =	sadd.s32 s1, s30  }
0xbb: {  	s0 =	sor.u32 s3, s0;
	s1 =	sshll.u32 s1, $0x11  }
0xbc: {  	s0 =	sor.u32 s1, s0  }
0xbd: {  	s0 =	sadd.s32 $0x8F2B, s0  }
0xbe: {  	[sflag:s0] =	ssyncadd.remote.s32 $0x1  }
0xbf: {  	_ =	sfence.sel $0xFFFF  }
0xc0: {  	[dreg:$0x0] =	wrdreg $0xFFFFFFFF;
	(pc) =	sbr.abs _section_cstart, $3  }
0xc1: {  	[dreg:$0x1] =	wrdreg $0xFFFFFFFF  }
0xc2: {  	_ =	task.clear_ibuf [dreg:s7], $0x2FFFF;
	_ =	strace $0x9FFFFFFF  }
0xc3: {  	(tm) =	ssettm $0x7FFFFFFF  }
tec
execute0_lowered:
.L_overlay_start_1:
0x0: {  	(tag) =	ssettag $0x1  }
0x1: {  	s4 =	rddreg [dreg:$0x0]  }
0x2: {  	s7 =	rddreg [dreg:$0x1]  }
0x3: {  	s0 =	srdreg.scid;
	s2 =	rddreg [dreg:$0x2];
	s3 =	simm.s32 $0x0  }
0x4: {  	s12 =	simm.s32 $0x1400;
	s13 =	simm.s32 $0x20;
	s14 =	simm.s32 $0x10  }
0x5: {  	s15 =	simm.s32 $0x0;
	s5 =	sand.u32 $0x1, s0;
	s0 =	stileid.u32  }
0x6: {  	[smem:$0x7FF] =	sst s3;
	s1 =	sshll.u32 s5, $0x4;
	s8 =	smul.u32 $0x280, s0  }
0x7: {  	s10 =	ssub.s32 $0x2, s5;
	s11 =	smul.u32 $0x500, s0;
	s5 =	sshll.u32 s5, $0x7  }
0x8: {  	s30 =	sshll.u32 s0, $0x6;
	s6 =	sor.u32 s0, s1;
	s1 =	rddreg [dreg:$0x3]  }
0x9: {  	_ =	strace $0x80000047;
	s28 =	sshrl.u32 s10, $0x1;
	s6 =	smul.u32 $0x280, s6  }
0xa: {  	s9 =	sshrl.u32 s8, $0x3;
	s29 =	sadd.s32 s8, s2;
	s11 =	sor.u32 s5, s11  }
0xb: {  	s5 =	sor.u32 $0x1C01, s30;
	s31 =	sshrl.u32 s11, $0x3;
	s11 =	simm.s32 $0x80  }
0xc: {  	s6 =	sadd.s32 s6, s4;
	s4 =	sadd.s32 s9, s4;
	s9 =	ssub.s32 s10, s28  }
0xd: {  	s7 =	sadd.s32 s7, s31;
	s10 =	simm.s32 $0x1;
	s4 =	sadd.s32 $0x6400, s4  }
0xe: {  	v0 =	vimm.f32 $1.000000000e+00;
	s6 =	sadd.s32 $0x1400, s6;
	s8 =	smax.u32 s9, $0x1;
	s9 =	sshrl.u32 s29, $0x3  }
.LBB2_1:
0xf: {  	[spmem:s9], [sflag:s5] =	dma.local [hbm:s4], $0x50  }
0x10: {  	_ =	swait.ge [sflag:s10], $0x50  }
0x11: {  	[sflag:s10] =	ssyncset.done $0x0  }
0x12: {  	[sflag:s10] =	ssyncadd.s32 $0xFFFFFFB0  }
0x13: {  	[tilespmem:s3], [sflag:$0x1] =	stream.linear.gather [hbm4b:s6+s3], $0x1400, $0x38;
	[tilespmem:$0x1700] =	vst v63  }
0x14: {  	_ =	swait.ge [sflag:s10], $0x1400  }
0x15: {  	[sflag:s10] =	ssyncset.done $0x0  }
0x16: {  	[sflag:s10] =	ssyncadd.s32 $0xFFFFEC00  }
0x17: {  	[tilespmem:$0x1400] =	vst v0  }
0x18: {  	[tilespmem:$0x1410] =	vst v0  }
0x19: {  	[tilespmem:$0x1420] =	vst v0  }
0x1a: {  	[tilespmem:$0x1430] =	vst v0  }
0x1b: {  	[tilespmem:$0x1440] =	vst v0  }
0x1c: {  	[tilespmem:$0x1450] =	vst v0  }
0x1d: {  	[tilespmem:$0x1460] =	vst v0  }
0x1e: {  	[tilespmem:$0x1470] =	vst v0  }
0x1f: {  	s16 =	simm.s32 $0x0;
	[bflag:$0x0] =	sbarrier.arrive $0xFFFF  }
0x20: {  	[spmem:s2] =	stream.indirect.scatter.add.f32 [tilespmem:s12], [sflag:$0x1], $0x1, s16, s11, $0xb8;
	[tilespmem:$0x1700] =	vst v63  }
0x21: {  	_ =	swait.ge [sflag:s10], $0x80  }
0x22: {  	s16 =	simm.s32 $0x200;
	[sflag:s10] =	ssyncset.done $0x0  }
.LBB2_2:
0x23: {  	s17 =	sshra.s32 s16, $0x2;
	[sflag:s10] =	ssyncadd.s32 $0xFFFFFF80;
	p0 =	sne.s32 s16, $0x4E00  }
0x24: {  	[spmem:s2] =	stream.indirect.scatter.add.f32 [tilespmem:s12], [sflag:$0x1], $0x1, s17, s11, $0xb8;
	[tilespmem:$0x1700] =	vst v63  }
.Ltmp0:
0x25: {  	_ = 	snop;
	(pc) =	sbr.rel @p0 .LBB2_2-.Ltmp0, $4  }
0x26: {  	_ = 	snop  }
0x27: {  	s16 =	sadd.s32 $0x200, s16  }
0x28: {  	_ =	swait.ge [sflag:s10], $0x80  }
0x29: {  	[sflag:s10] =	ssyncset.done $0x0  }
0x2a: {  	s15 =	sadd.s32 $0x1, s15  }
0x2b: {  	[sflag:s10] =	ssyncadd.s32 $0xFFFFFF80;
	p0 =	sne.s32 s15, s8  }
.Ltmp1:
0x2c: {  	[bflag:$0x0] =	sbarrier.arrive $0xFFFF;
	(pc) =	sbr.rel @p0 .LBB2_1-.Ltmp1, $4  }
0x2d: {  	[hbm:s7@s13], [sflag:s5] =	dma.strided [spmem:s9@s14], $0x50, s10, $0x10   }
0x2e: {  	_ =	swait.ge [sflag:s10], $0x50  }
0x2f: {  	[sflag:s10] =	ssyncset.done $0x0  }
0x30: {  	[sflag:s10] =	ssyncadd.s32 $0xFFFFFFB0  }
0x31: {  	_ =	sfence.sel $0x180000  }
0x32: {  	[bflag:$0x0] =	sbarrier.arrive $0xFFFF  }
0x33: {  	p0 =	sne.s32 s0, $0x0;
	_ =	strace $0x90000047  }
0x34: {  	s0 =	sadd.s32 @!p0 $0x100000, s1;
	[bflag:$0x2] =	sbarrier.arrive $0xFFFF  }
0x35: {  	[sflag:s0] =	ssyncadd.tile.s32 @!p0 $0x1;
	_ =	shalt  }
.Lfunc_end2:
_tile_overlayer_lowered:
.L_overlay_start_2:
0x36: {  	(tag) =	ssettag $0x2  }
0x37: {  	s0 =	rddreg [dreg:$0x0];
	s2 =	stileid.u32  }
0x38: {  	s1 =	rddreg [dreg:$0x1];
	p0 =	sne.s32 s2, $0x0  }
0x39: {  	s3 =	rddreg [dreg:$0x2];
	[bflag:$0x3] =	sbarrier.arrive $0xFFFF;
	s2 =	simm.s32 @!p0 $0x1C01  }
0x3a: {  	[timem:s3], [sflag:s2] =	dma.local @!p0 [hbm:s0], s1  }
0x3b: {  	s0 =	simm.s32 @!p0 $0x1  }
0x3c: {  	_ =	swait.ge @!p0 [sflag:s0], s1  }
0x3d: {  	s1 =	ssub.s32 @!p0 $0x0, s1;
	[sflag:s0] =	ssyncset.done @!p0 $0x0  }
0x3e: {  	[sflag:s0] =	ssyncadd.s32 @!p0 s1  }
0x3f: {  	[bflag:$0x3] =	sbarrier.arrive $0xFFFF  }
0x40: {  	_ =	shalt  }

</sc_bundles>
